<compile_context>
chip_gen: v7x
topology: tpu7x:2x2x1
jax: 0.10.2.dev20260603
libtpu: 0.0.44.dev20260713+nightly
codegen_flags: <defaults>
</compile_context>

<pallas_src>
import functools

import jax
import jax.numpy as jnp
from jax import lax
from jax.experimental import pallas as pl
from jax.experimental.pallas import tpu as pltpu
from jax.experimental.pallas import tpu_sc as plsc

_C = 32
_K = 8192
_H = _K // 2
_TN = 256


def _argmin_body(x_ref, e_ref, idx_ref, loss_ref, et_ref, esq_ref):
    i = pl.program_id(0)

    @pl.when(i == 0)
    def _init():
        e = e_ref[...]
        esq_ref[...] = jnp.sum(e * e, axis=0, keepdims=True)
        loss_ref[0, 0] = 0.0
        et_ref[...] = jnp.transpose(e, (1, 0))

    xb = x_ref[...]
    conv = lax.dot_general((2.0 * xb).astype(jnp.bfloat16),
                           e_ref[...].astype(jnp.bfloat16),
                           (((1,), (0,)), ((), ())),
                           preferred_element_type=jnp.float32)
    xsq = jnp.sum(xb * xb, axis=1, keepdims=True)
    esq = esq_ref[...]
    lane = lax.broadcasted_iota(jnp.int32, (_TN, 128), 1)

    def half_argmin(off):
        runv = (xsq - conv[:, off:off + 128]) + esq[:, off:off + 128]
        runi = jnp.zeros((_TN, 128), jnp.int32)
        for ci in range(1, _H // 128):
            o = off + ci * 128
            dc = (xsq - conv[:, o:o + 128]) + esq[:, o:o + 128]
            upd = dc < runv
            runi = jnp.where(upd, ci, runi)
            runv = jnp.where(upd, dc, runv)
        m = jnp.min(runv, axis=1, keepdims=True)
        kk = runi * 128 + lane
        a = jnp.min(jnp.where(runv == m, kk, _K), axis=1)
        return m[:, 0], a

    m1v, a1 = half_argmin(0)
    m2v, a2 = half_argmin(_H)
    a2 = a2 + _H
    win2 = m2v < m1v.astype(jnp.bfloat16).astype(jnp.float32)
    idx_ref[...] = jnp.where(win2, a2, a1)
    loss_ref[0, 0] += jnp.sum(jnp.where(win2, m2v, m1v))

    @pl.when(i == pl.num_programs(0) - 1)
    def _final():
        loss_ref[0, 0] = loss_ref[0, 0] * (1.0 / (_TN * pl.num_programs(0) * _C))


def _tc_argmin(flat_x, embeddings):
    n = flat_x.shape[0]
    grid = n // _TN
    return pl.pallas_call(
        _argmin_body,
        grid=(grid,),
        in_specs=[
            pl.BlockSpec((_TN, _C), lambda i: (i, 0)),
            pl.BlockSpec((_C, _K), lambda i: (0, 0)),
        ],
        out_specs=[
            pl.BlockSpec((_TN,), lambda i: (i,)),
            pl.BlockSpec(memory_space=pltpu.SMEM),
            pl.BlockSpec((_K, _C), lambda i: (0, 0)),
        ],
        out_shape=[
            jax.ShapeDtypeStruct((n,), jnp.int32),
            jax.ShapeDtypeStruct((1, 1), jnp.float32),
            jax.ShapeDtypeStruct((_K, _C), jnp.float32),
        ],
        scratch_shapes=[pltpu.VMEM((1, _K), jnp.float32)],
        compiler_params=pltpu.CompilerParams(
            dimension_semantics=("arbitrary",)),
    )(flat_x, embeddings)


@functools.cache
def _make_sc_gather(v, d, b):
    info = plsc.get_sparse_core_info()
    nc, ns = info.num_cores, info.num_subcores
    nw = nc * ns
    b_per_w = b // nw
    mesh = plsc.VectorSubcoreMesh(core_axis_name="c", subcore_axis_name="s")

    @functools.partial(
        pl.kernel, mesh=mesh,
        out_type=jax.ShapeDtypeStruct((b, d), jnp.float32),
        scratch_types=[
            pltpu.VMEM((b_per_w,), jnp.int32),
            pltpu.VMEM((b_per_w, d), jnp.float32),
            pltpu.SemaphoreType.DMA,
        ],
        compiler_params=pltpu.CompilerParams(use_tc_tiling_on_sc=False),
    )
    def gather_k(table_hbm, idx_hbm, out_hbm, idx_v, rows_v, sem):
        wid = lax.axis_index("s") * nc + lax.axis_index("c")
        base = wid * b_per_w
        pltpu.sync_copy(idx_hbm.at[pl.ds(base, b_per_w)], idx_v)
        pltpu.async_copy(table_hbm.at[idx_v], rows_v, sem).wait()
        pltpu.sync_copy(rows_v, out_hbm.at[pl.ds(base, b_per_w)])

    return gather_k


def kernel(x, embeddings):
    b, c, h, w = x.shape
    n = b * h * w
    flat_x = jnp.transpose(x, (0, 2, 3, 1)).reshape(n, c)
    idx, loss_sum, table = _tc_argmin(flat_x, embeddings)
    loss = loss_sum[0, 0]
    q_flat = _make_sc_gather(_K, c, n)(table, idx)
    quantized = jnp.transpose(q_flat.reshape(b, h, w, c), (0, 3, 1, 2))
    return quantized, loss, idx.reshape(b, -1)

# --- scband reference (transcript-rebuilt; emitter-appended) ---
"""Pipeline reference for scband-vector-quantizer-3667902071452 (READ-ONLY COPY).

The authoritative reference and input builder live on the scoring server;
editing this copy changes nothing except your own understanding.
"""

import jax, jax.numpy as jnp
import numpy as np

EMBEDDING_DIM = 32
NUM_EMBEDDINGS = 8192


def setup_inputs(seed: int = 0) -> dict:
    key = jax.random.key(seed)
    kx, ke = jax.random.split(key)
    x = jax.random.normal(kx, (4, EMBEDDING_DIM, 64, 64), dtype=jnp.float32)
    limit = 3 ** 0.5
    embeddings = jax.random.uniform(
        ke, (EMBEDDING_DIM, NUM_EMBEDDINGS), dtype=jnp.float32,
        minval=-limit, maxval=limit)
    return {"x": x, "embeddings": embeddings}


def reference(x, embeddings):
    B, C, H, W = x.shape
    flat_x = jnp.transpose(x, (0, 2, 3, 1)).reshape(-1, C)
    distances = (flat_x ** 2).sum(axis=1, keepdims=True) \
        - 2.0 * flat_x @ embeddings \
        + (embeddings ** 2).sum(axis=0, keepdims=True)
    encoding_indices = jnp.argmin(distances, axis=1)
    # embedding lookup: table is embeddings.T with shape [K, C]
    quantized = jnp.take(embeddings.T, encoding_indices.reshape(B, H, W), axis=0)  # [B,H,W,C]
    quantized = jnp.transpose(quantized, (0, 3, 1, 2))  # [B,C,H,W]
    commitment_loss = jnp.mean((x - jax.lax.stop_gradient(quantized)) ** 2)
    quantized_ste = x + jax.lax.stop_gradient(quantized - x)
    return quantized_ste, commitment_loss, encoding_indices.reshape(B, -1)

if __name__ == "__main__":
    import jax
    _d = setup_inputs()
    print(jax.jit(kernel)(*tuple(_d.values())))

</pallas_src>

<mosaic_0001>
#map = affine_map<(d0, d1) -> (0, 0)>
#map1 = affine_map<(d0, d1) -> (0)>
module attributes {stable_mosaic.version = 14 : i64} {
  func.func @gather_k(%arg0: i32, %arg1: i32, %arg2: memref<8192x32xf32, #tpu.memory_space<hbm>>, %arg3: memref<16384xi32, #tpu.memory_space<hbm>>, %arg4: memref<16384x32xf32, #tpu.memory_space<hbm>>, %arg5: memref<512xi32, #tpu.memory_space<vmem>>, %arg6: memref<512x32xf32, #tpu.memory_space<vmem>>, %arg7: memref<!tpu.dma_semaphore, #tpu.memory_space<semaphore_mem>>) attributes {dimension_semantics = [#tpu.dimension_semantics<core_parallel>, #tpu.dimension_semantics<subcore_parallel>], iteration_bounds = array<i64: 2, 16>, scalar_prefetch = 0 : i64, scratch_operands = 3 : i64, tpu.core_type = #tpu.core_type<sc_vector_subcore>, window_params = [{transform_indices = #map}, {transform_indices = #map1}, {transform_indices = #map}]} {
    %mul3A = arith.constant 2 : i32
    %mul3A_0 = arith.muli %arg1, %mul3A : i32
    %add3A = arith.addi %mul3A_0, %arg0 : i32
    %mul3A_1 = arith.constant 512 : i32
    %mul3A_2 = arith.muli %add3A, %mul3A_1 : i32
    "tpu.region"() ({
      %run_scoped3A = tpu.sem_alloc : memref<!tpu.dma_semaphore, #tpu.memory_space<semaphore_mem>>
      %dma_start3A_7 = tpu.memref_slice %arg3[%mul3A_2] : memref<16384xi32, #tpu.memory_space<hbm>> -> memref<512xi32, #tpu.memory_space<hbm>>
      %dma_start3A_8 = tpu.memref_slice %arg3[%mul3A_2] : memref<16384xi32, #tpu.memory_space<hbm>> -> memref<512xi32, #tpu.memory_space<hbm>>
      tpu.enqueue_dma source(%dma_start3A_8 : memref<512xi32, #tpu.memory_space<hbm>>) target(%arg5 : memref<512xi32, #tpu.memory_space<vmem>>) target_semaphore(%run_scoped3A : memref<!tpu.dma_semaphore, #tpu.memory_space<semaphore_mem>>)
      %dma_wait3A_9 = tpu.memref_slice %arg3[%mul3A_2] : memref<16384xi32, #tpu.memory_space<hbm>> -> memref<512xi32, #tpu.memory_space<hbm>>
      %dma_wait3A_10 = tpu.memref_slice %arg3[%mul3A_2] : memref<16384xi32, #tpu.memory_space<hbm>> -> memref<512xi32, #tpu.memory_space<hbm>>
      tpu.wait_dma2 semaphore(%run_scoped3A : memref<!tpu.dma_semaphore, #tpu.memory_space<semaphore_mem>>) src(%dma_wait3A_10 : memref<512xi32, #tpu.memory_space<hbm>>) dst(%arg5 : memref<512xi32, #tpu.memory_space<vmem>>)
      tpu.yield
    }) : () -> ()
    %dma_start3A = arith.constant 0 : i32
    %dma_start3A_3 = arith.constant 0 : i32
    %dma_start3A_4 = tpu.memref_slice %arg2[%dma_start3A, %dma_start3A_3] : memref<8192x32xf32, #tpu.memory_space<hbm>> -> memref<8192x32xf32, #tpu.memory_space<hbm>>
    tpu.enqueue_indirect_dma source(%dma_start3A_4 : memref<8192x32xf32, #tpu.memory_space<hbm>>) target(%arg6 : memref<512x32xf32, #tpu.memory_space<vmem>>) offsets(%arg5 : memref<512xi32, #tpu.memory_space<vmem>>) semaphore(%arg7 : memref<!tpu.dma_semaphore, #tpu.memory_space<semaphore_mem>>)
    %dma_wait3A = arith.constant 0 : i32
    %dma_wait3A_5 = arith.constant 0 : i32
    %dma_wait3A_6 = tpu.memref_slice %arg2[%dma_wait3A, %dma_wait3A_5] : memref<8192x32xf32, #tpu.memory_space<hbm>> -> memref<8192x32xf32, #tpu.memory_space<hbm>>
    tpu.wait_indirect_dma semaphore(%arg7 : memref<!tpu.dma_semaphore, #tpu.memory_space<semaphore_mem>>) src(%dma_wait3A_6 : memref<8192x32xf32, #tpu.memory_space<hbm>>) dst(%arg6 : memref<512x32xf32, #tpu.memory_space<vmem>>)
    "tpu.region"() ({
      %run_scoped3A = tpu.sem_alloc : memref<!tpu.dma_semaphore, #tpu.memory_space<semaphore_mem>>
      %dma_start3A_7 = arith.constant 0 : i32
      %dma_start3A_8 = tpu.memref_slice %arg4[%mul3A_2, %dma_start3A_7] : memref<16384x32xf32, #tpu.memory_space<hbm>> -> memref<512x32xf32, #tpu.memory_space<hbm>>
      %dma_start3A_9 = arith.constant 0 : i32
      %dma_start3A_10 = tpu.memref_slice %arg4[%mul3A_2, %dma_start3A_9] : memref<16384x32xf32, #tpu.memory_space<hbm>> -> memref<512x32xf32, #tpu.memory_space<hbm>>
      tpu.enqueue_dma source(%arg6 : memref<512x32xf32, #tpu.memory_space<vmem>>) target(%dma_start3A_10 : memref<512x32xf32, #tpu.memory_space<hbm>>) target_semaphore(%run_scoped3A : memref<!tpu.dma_semaphore, #tpu.memory_space<semaphore_mem>>)
      %dma_wait3A_11 = arith.constant 0 : i32
      %dma_wait3A_12 = tpu.memref_slice %arg4[%mul3A_2, %dma_wait3A_11] : memref<16384x32xf32, #tpu.memory_space<hbm>> -> memref<512x32xf32, #tpu.memory_space<hbm>>
      %dma_wait3A_13 = arith.constant 0 : i32
      %dma_wait3A_14 = tpu.memref_slice %arg4[%mul3A_2, %dma_wait3A_13] : memref<16384x32xf32, #tpu.memory_space<hbm>> -> memref<512x32xf32, #tpu.memory_space<hbm>>
      tpu.wait_dma2 semaphore(%run_scoped3A : memref<!tpu.dma_semaphore, #tpu.memory_space<semaphore_mem>>) src(%arg6 : memref<512x32xf32, #tpu.memory_space<vmem>>) dst(%dma_wait3A_14 : memref<512x32xf32, #tpu.memory_space<hbm>>)
      tpu.yield
    }) : () -> ()
    return
  }
}

module attributes {stable_mosaic.version = 14 : i64} {
  func.func @_argmin_body(%arg0: i32, %arg1: memref<256x32xf32, #tpu.memory_space<vmem>>, %arg2: memref<32x8192xf32, #tpu.memory_space<vmem>>, %arg3: memref<256xi32, #tpu.memory_space<vmem>>, %arg4: memref<1x1xf32, #tpu.memory_space<smem>>, %arg5: memref<8192x32xf32, #tpu.memory_space<vmem>>, %arg6: memref<1x8192xf32, #tpu.memory_space<vmem>>) attributes {dimension_semantics = [#tpu.dimension_semantics<arbitrary>], iteration_bounds = array<i64: 64>, scalar_prefetch = 0 : i64, scratch_operands = 1 : i64, tpu.core_type = #tpu.core_type<tc>, window_params = [{transform_indices = @transform_0, window_bounds = array<i64: 256, 32>}, {pipeline_mode = #tpu.pipeline_mode<synchronous>, transform_indices = @transform_1, window_bounds = array<i64: 32, 8192>}, {transform_indices = @transform_2, window_bounds = array<i64: 256>}, {transform_indices = @transform_3, window_bounds = array<i64: 1, 1>}, {pipeline_mode = #tpu.pipeline_mode<synchronous>, transform_indices = @transform_4, window_bounds = array<i64: 8192, 32>}]} {
    %eq3A = arith.constant 0 : i32
    %eq3A_0 = arith.cmpi eq, %arg0, %eq3A : i32
    %convert_element_type3A = arith.extui %eq3A_0 : i1 to i32
    %cond3A = arith.constant 0 : i32
    %cond3A_1 = arith.cmpi ne, %convert_element_type3A, %cond3A : i32
    scf.if %cond3A_1 {
      %get3A_763 = arith.constant 0 : index
      %get3A_764 = arith.constant 0 : index
      %get3A_765 = vector.load %arg2[%get3A_763, %get3A_764] : memref<32x8192xf32, #tpu.memory_space<vmem>>, vector<32x8192xf32>
      %mul3A_766 = arith.mulf %get3A_765, %get3A_765 : vector<32x8192xf32>
      %reduce_sum3A_767 = arith.constant dense<0.000000e+00> : vector<8192xf32>
      %reduce_sum3A_768 = vector.multi_reduction <add>, %mul3A_766, %reduce_sum3A_767 [0] : vector<32x8192xf32> to vector<8192xf32>
      %broadcast_in_dim3A_769 = vector.shape_cast %reduce_sum3A_768 : vector<8192xf32> to vector<1x8192xf32>
      %swap3A_770 = arith.constant 0 : index
      %swap3A_771 = arith.constant 0 : index
      %swap3A_772 = vector.load %arg6[%swap3A_770, %swap3A_771] : memref<1x8192xf32, #tpu.memory_space<vmem>>, vector<1x8192xf32>
      tpu.vector_store %arg6[%swap3A_770, %swap3A_771], %broadcast_in_dim3A_769 {strides = array<i32>} : memref<1x8192xf32, #tpu.memory_space<vmem>>, vector<1x8192xf32>,
      %swap3A_773 = arith.constant 0.000000e+00 : f32
      %swap3A_774 = arith.constant 0 : index
      %swap3A_775 = arith.constant 0 : index
      %swap3A_776 = memref.load %arg4[%swap3A_774, %swap3A_775] : memref<1x1xf32, #tpu.memory_space<smem>>
      memref.store %swap3A_773, %arg4[%swap3A_774, %swap3A_775] : memref<1x1xf32, #tpu.memory_space<smem>>
      %transpose3A = tpu.transpose %get3A_765, [1, 0] : vector<32x8192xf32> -> vector<8192x32xf32>
      %swap3A_777 = arith.constant 0 : index
      %swap3A_778 = arith.constant 0 : index
      %swap3A_779 = vector.load %arg5[%swap3A_777, %swap3A_778] : memref<8192x32xf32, #tpu.memory_space<vmem>>, vector<8192x32xf32>
      tpu.vector_store %arg5[%swap3A_777, %swap3A_778], %transpose3A {strides = array<i32>} : memref<8192x32xf32, #tpu.memory_space<vmem>>, vector<8192x32xf32>,
    } else {
    }
    %get3A = arith.constant 0 : index
    %get3A_2 = arith.constant 0 : index
    %get3A_3 = vector.load %arg1[%get3A, %get3A_2] : memref<256x32xf32, #tpu.memory_space<vmem>>, vector<256x32xf32>
    %mul3A = arith.constant 2.000000e+00 : f32
    %mul3A_4 = vector.broadcast %mul3A : f32 to vector<256x32xf32>
    %mul3A_5 = arith.mulf %mul3A_4, %get3A_3 : vector<256x32xf32>
    %convert_element_type3A_6 = arith.truncf %mul3A_5 : vector<256x32xf32> to vector<256x32xbf16>
    %get3A_7 = arith.constant 0 : index
    %get3A_8 = arith.constant 0 : index
    %get3A_9 = vector.load %arg2[%get3A_7, %get3A_8] : memref<32x8192xf32, #tpu.memory_space<vmem>>, vector<32x8192xf32>
    %convert_element_type3A_10 = arith.truncf %get3A_9 : vector<32x8192xf32> to vector<32x8192xbf16>
    %dot_general3A = arith.constant dense<0.000000e+00> : vector<256x8192xf32>
    %dot_general3A_11 = tpu.matmul %convert_element_type3A_6, %convert_element_type3A_10, %dot_general3A {dimension_numbers = #tpu.dot_dimension_numbers<[1], [0], [0], [1], [0, 0, 1, 1], [], []>, transpose_lhs_hint = false} : vector<256x32xbf16>, vector<32x8192xbf16>, vector<256x8192xf32> -> vector<256x8192xf32>
    %mul3A_12 = arith.mulf %get3A_3, %get3A_3 : vector<256x32xf32>
    %reduce_sum3A = arith.constant dense<0.000000e+00> : vector<256xf32>
    %reduce_sum3A_13 = vector.multi_reduction <add>, %mul3A_12, %reduce_sum3A [1] : vector<256x32xf32> to vector<256xf32>
    %broadcast_in_dim3A = vector.shape_cast %reduce_sum3A_13 : vector<256xf32> to vector<256x1xf32>
    %get3A_14 = arith.constant 0 : index
    %get3A_15 = arith.constant 0 : index
    %get3A_16 = vector.load %arg6[%get3A_14, %get3A_15] : memref<1x8192xf32, #tpu.memory_space<vmem>>, vector<1x8192xf32>
    %iota3A = tpu.iota {dimensions = array<i32: 1>} : vector<256x128xi32>
    %slice3A = vector.extract_strided_slice %dot_general3A_11 {offsets = [0, 0], sizes = [256, 128], strides = [1, 1]} : vector<256x8192xf32> to vector<256x128xf32>
    %sub3A = vector.broadcast %broadcast_in_dim3A : vector<256x1xf32> to vector<256x128xf32>
    %sub3A_17 = arith.subf %sub3A, %slice3A : vector<256x128xf32>
    %slice3A_18 = vector.extract_strided_slice %get3A_16 {offsets = [0, 0], sizes = [1, 128], strides = [1, 1]} : vector<1x8192xf32> to vector<1x128xf32>
    %add3A = vector.broadcast %slice3A_18 : vector<1x128xf32> to vector<256x128xf32>
    %add3A_19 = arith.addf %sub3A_17, %add3A : vector<256x128xf32>
    %broadcast_in_dim3A_20 = arith.constant 0 : i32
    %broadcast_in_dim3A_21 = vector.broadcast %broadcast_in_dim3A_20 : i32 to vector<256x128xi32>
    %slice3A_22 = vector.extract_strided_slice %dot_general3A_11 {offsets = [0, 128], sizes = [256, 128], strides = [1, 1]} : vector<256x8192xf32> to vector<256x128xf32>
    %sub3A_23 = vector.broadcast %broadcast_in_dim3A : vector<256x1xf32> to vector<256x128xf32>
    %sub3A_24 = arith.subf %sub3A_23, %slice3A_22 : vector<256x128xf32>
    %slice3A_25 = vector.extract_strided_slice %get3A_16 {offsets = [0, 128], sizes = [1, 128], strides = [1, 1]} : vector<1x8192xf32> to vector<1x128xf32>
    %add3A_26 = vector.broadcast %slice3A_25 : vector<1x128xf32> to vector<256x128xf32>
    %add3A_27 = arith.addf %sub3A_24, %add3A_26 : vector<256x128xf32>
    %lt3A = arith.cmpf olt, %add3A_27, %add3A_19 : vector<256x128xf32>
    %jit3A = arith.constant 1 : i32
    %broadcast_in_dim3A_28 = vector.broadcast %jit3A : i32 to vector<256x128xi32>
    %select_n3A = arith.select %lt3A, %broadcast_in_dim3A_28, %broadcast_in_dim3A_21 : vector<256x128xi1>, vector<256x128xi32>
    %select_n3A_29 = arith.select %lt3A, %add3A_27, %add3A_19 : vector<256x128xi1>, vector<256x128xf32>
    %slice3A_30 = vector.extract_strided_slice %dot_general3A_11 {offsets = [0, 256], sizes = [256, 128], strides = [1, 1]} : vector<256x8192xf32> to vector<256x128xf32>
    %sub3A_31 = vector.broadcast %broadcast_in_dim3A : vector<256x1xf32> to vector<256x128xf32>
    %sub3A_32 = arith.subf %sub3A_31, %slice3A_30 : vector<256x128xf32>
    %slice3A_33 = vector.extract_strided_slice %get3A_16 {offsets = [0, 256], sizes = [1, 128], strides = [1, 1]} : vector<1x8192xf32> to vector<1x128xf32>
    %add3A_34 = vector.broadcast %slice3A_33 : vector<1x128xf32> to vector<256x128xf32>
    %add3A_35 = arith.addf %sub3A_32, %add3A_34 : vector<256x128xf32>
    %lt3A_36 = arith.cmpf olt, %add3A_35, %select_n3A_29 : vector<256x128xf32>
    %jit3A_37 = arith.constant 2 : i32
    %broadcast_in_dim3A_38 = vector.broadcast %jit3A_37 : i32 to vector<256x128xi32>
    %select_n3A_39 = arith.select %lt3A_36, %broadcast_in_dim3A_38, %select_n3A : vector<256x128xi1>, vector<256x128xi32>
    %select_n3A_40 = arith.select %lt3A_36, %add3A_35, %select_n3A_29 : vector<256x128xi1>, vector<256x128xf32>
    %slice3A_41 = vector.extract_strided_slice %dot_general3A_11 {offsets = [0, 384], sizes = [256, 128], strides = [1, 1]} : vector<256x8192xf32> to vector<256x128xf32>
    %sub3A_42 = vector.broadcast %broadcast_in_dim3A : vector<256x1xf32> to vector<256x128xf32>
    %sub3A_43 = arith.subf %sub3A_42, %slice3A_41 : vector<256x128xf32>
    %slice3A_44 = vector.extract_strided_slice %get3A_16 {offsets = [0, 384], sizes = [1, 128], strides = [1, 1]} : vector<1x8192xf32> to vector<1x128xf32>
    %add3A_45 = vector.broadcast %slice3A_44 : vector<1x128xf32> to vector<256x128xf32>
    %add3A_46 = arith.addf %sub3A_43, %add3A_45 : vector<256x128xf32>
    %lt3A_47 = arith.cmpf olt, %add3A_46, %select_n3A_40 : vector<256x128xf32>
    %jit3A_48 = arith.constant 3 : i32
    %broadcast_in_dim3A_49 = vector.broadcast %jit3A_48 : i32 to vector<256x128xi32>
    %select_n3A_50 = arith.select %lt3A_47, %broadcast_in_dim3A_49, %select_n3A_39 : vector<256x128xi1>, vector<256x128xi32>
    %select_n3A_51 = arith.select %lt3A_47, %add3A_46, %select_n3A_40 : vector<256x128xi1>, vector<256x128xf32>
    %slice3A_52 = vector.extract_strided_slice %dot_general3A_11 {offsets = [0, 512], sizes = [256, 128], strides = [1, 1]} : vector<256x8192xf32> to vector<256x128xf32>
    %sub3A_53 = vector.broadcast %broadcast_in_dim3A : vector<256x1xf32> to vector<256x128xf32>
    %sub3A_54 = arith.subf %sub3A_53, %slice3A_52 : vector<256x128xf32>
    %slice3A_55 = vector.extract_strided_slice %get3A_16 {offsets = [0, 512], sizes = [1, 128], strides = [1, 1]} : vector<1x8192xf32> to vector<1x128xf32>
    %add3A_56 = vector.broadcast %slice3A_55 : vector<1x128xf32> to vector<256x128xf32>
    %add3A_57 = arith.addf %sub3A_54, %add3A_56 : vector<256x128xf32>
    %lt3A_58 = arith.cmpf olt, %add3A_57, %select_n3A_51 : vector<256x128xf32>
    %jit3A_59 = arith.constant 4 : i32
    %broadcast_in_dim3A_60 = vector.broadcast %jit3A_59 : i32 to vector<256x128xi32>
    %select_n3A_61 = arith.select %lt3A_58, %broadcast_in_dim3A_60, %select_n3A_50 : vector<256x128xi1>, vector<256x128xi32>
    %select_n3A_62 = arith.select %lt3A_58, %add3A_57, %select_n3A_51 : vector<256x128xi1>, vector<256x128xf32>
    %slice3A_63 = vector.extract_strided_slice %dot_general3A_11 {offsets = [0, 640], sizes = [256, 128], strides = [1, 1]} : vector<256x8192xf32> to vector<256x128xf32>
    %sub3A_64 = vector.broadcast %broadcast_in_dim3A : vector<256x1xf32> to vector<256x128xf32>
    %sub3A_65 = arith.subf %sub3A_64, %slice3A_63 : vector<256x128xf32>
    %slice3A_66 = vector.extract_strided_slice %get3A_16 {offsets = [0, 640], sizes = [1, 128], strides = [1, 1]} : vector<1x8192xf32> to vector<1x128xf32>
    %add3A_67 = vector.broadcast %slice3A_66 : vector<1x128xf32> to vector<256x128xf32>
    %add3A_68 = arith.addf %sub3A_65, %add3A_67 : vector<256x128xf32>
    %lt3A_69 = arith.cmpf olt, %add3A_68, %select_n3A_62 : vector<256x128xf32>
    %jit3A_70 = arith.constant 5 : i32
    %broadcast_in_dim3A_71 = vector.broadcast %jit3A_70 : i32 to vector<256x128xi32>
    %select_n3A_72 = arith.select %lt3A_69, %broadcast_in_dim3A_71, %select_n3A_61 : vector<256x128xi1>, vector<256x128xi32>
    %select_n3A_73 = arith.select %lt3A_69, %add3A_68, %select_n3A_62 : vector<256x128xi1>, vector<256x128xf32>
    %slice3A_74 = vector.extract_strided_slice %dot_general3A_11 {offsets = [0, 768], sizes = [256, 128], strides = [1, 1]} : vector<256x8192xf32> to vector<256x128xf32>
    %sub3A_75 = vector.broadcast %broadcast_in_dim3A : vector<256x1xf32> to vector<256x128xf32>
    %sub3A_76 = arith.subf %sub3A_75, %slice3A_74 : vector<256x128xf32>
    %slice3A_77 = vector.extract_strided_slice %get3A_16 {offsets = [0, 768], sizes = [1, 128], strides = [1, 1]} : vector<1x8192xf32> to vector<1x128xf32>
    %add3A_78 = vector.broadcast %slice3A_77 : vector<1x128xf32> to vector<256x128xf32>
    %add3A_79 = arith.addf %sub3A_76, %add3A_78 : vector<256x128xf32>
    %lt3A_80 = arith.cmpf olt, %add3A_79, %select_n3A_73 : vector<256x128xf32>
    %jit3A_81 = arith.constant 6 : i32
    %broadcast_in_dim3A_82 = vector.broadcast %jit3A_81 : i32 to vector<256x128xi32>
    %select_n3A_83 = arith.select %lt3A_80, %broadcast_in_dim3A_82, %select_n3A_72 : vector<256x128xi1>, vector<256x128xi32>
    %select_n3A_84 = arith.select %lt3A_80, %add3A_79, %select_n3A_73 : vector<256x128xi1>, vector<256x128xf32>
    %slice3A_85 = vector.extract_strided_slice %dot_general3A_11 {offsets = [0, 896], sizes = [256, 128], strides = [1, 1]} : vector<256x8192xf32> to vector<256x128xf32>
    %sub3A_86 = vector.broadcast %broadcast_in_dim3A : vector<256x1xf32> to vector<256x128xf32>
    %sub3A_87 = arith.subf %sub3A_86, %slice3A_85 : vector<256x128xf32>
    %slice3A_88 = vector.extract_strided_slice %get3A_16 {offsets = [0, 896], sizes = [1, 128], strides = [1, 1]} : vector<1x8192xf32> to vector<1x128xf32>
    %add3A_89 = vector.broadcast %slice3A_88 : vector<1x128xf32> to vector<256x128xf32>
    %add3A_90 = arith.addf %sub3A_87, %add3A_89 : vector<256x128xf32>
    %lt3A_91 = arith.cmpf olt, %add3A_90, %select_n3A_84 : vector<256x128xf32>
    %jit3A_92 = arith.constant 7 : i32
    %broadcast_in_dim3A_93 = vector.broadcast %jit3A_92 : i32 to vector<256x128xi32>
    %select_n3A_94 = arith.select %lt3A_91, %broadcast_in_dim3A_93, %select_n3A_83 : vector<256x128xi1>, vector<256x128xi32>
    %select_n3A_95 = arith.select %lt3A_91, %add3A_90, %select_n3A_84 : vector<256x128xi1>, vector<256x128xf32>
    %slice3A_96 = vector.extract_strided_slice %dot_general3A_11 {offsets = [0, 1024], sizes = [256, 128], strides = [1, 1]} : vector<256x8192xf32> to vector<256x128xf32>
    %sub3A_97 = vector.broadcast %broadcast_in_dim3A : vector<256x1xf32> to vector<256x128xf32>
    %sub3A_98 = arith.subf %sub3A_97, %slice3A_96 : vector<256x128xf32>
    %slice3A_99 = vector.extract_strided_slice %get3A_16 {offsets = [0, 1024], sizes = [1, 128], strides = [1, 1]} : vector<1x8192xf32> to vector<1x128xf32>
    %add3A_100 = vector.broadcast %slice3A_99 : vector<1x128xf32> to vector<256x128xf32>
    %add3A_101 = arith.addf %sub3A_98, %add3A_100 : vector<256x128xf32>
    %lt3A_102 = arith.cmpf olt, %add3A_101, %select_n3A_95 : vector<256x128xf32>
    %jit3A_103 = arith.constant 8 : i32
    %broadcast_in_dim3A_104 = vector.broadcast %jit3A_103 : i32 to vector<256x128xi32>
    %select_n3A_105 = arith.select %lt3A_102, %broadcast_in_dim3A_104, %select_n3A_94 : vector<256x128xi1>, vector<256x128xi32>
    %select_n3A_106 = arith.select %lt3A_102, %add3A_101, %select_n3A_95 : vector<256x128xi1>, vector<256x128xf32>
    %slice3A_107 = vector.extract_strided_slice %dot_general3A_11 {offsets = [0, 1152], sizes = [256, 128], strides = [1, 1]} : vector<256x8192xf32> to vector<256x128xf32>
    %sub3A_108 = vector.broadcast %broadcast_in_dim3A : vector<256x1xf32> to vector<256x128xf32>
    %sub3A_109 = arith.subf %sub3A_108, %slice3A_107 : vector<256x128xf32>
    %slice3A_110 = vector.extract_strided_slice %get3A_16 {offsets = [0, 1152], sizes = [1, 128], strides = [1, 1]} : vector<1x8192xf32> to vector<1x128xf32>
    %add3A_111 = vector.broadcast %slice3A_110 : vector<1x128xf32> to vector<256x128xf32>
    %add3A_112 = arith.addf %sub3A_109, %add3A_111 : vector<256x128xf32>
    %lt3A_113 = arith.cmpf olt, %add3A_112, %select_n3A_106 : vector<256x128xf32>
    %jit3A_114 = arith.constant 9 : i32
    %broadcast_in_dim3A_115 = vector.broadcast %jit3A_114 : i32 to vector<256x128xi32>
    %select_n3A_116 = arith.select %lt3A_113, %broadcast_in_dim3A_115, %select_n3A_105 : vector<256x128xi1>, vector<256x128xi32>
    %select_n3A_117 = arith.select %lt3A_113, %add3A_112, %select_n3A_106 : vector<256x128xi1>, vector<256x128xf32>
    %slice3A_118 = vector.extract_strided_slice %dot_general3A_11 {offsets = [0, 1280], sizes = [256, 128], strides = [1, 1]} : vector<256x8192xf32> to vector<256x128xf32>
    %sub3A_119 = vector.broadcast %broadcast_in_dim3A : vector<256x1xf32> to vector<256x128xf32>
    %sub3A_120 = arith.subf %sub3A_119, %slice3A_118 : vector<256x128xf32>
    %slice3A_121 = vector.extract_strided_slice %get3A_16 {offsets = [0, 1280], sizes = [1, 128], strides = [1, 1]} : vector<1x8192xf32> to vector<1x128xf32>
    %add3A_122 = vector.broadcast %slice3A_121 : vector<1x128xf32> to vector<256x128xf32>
    %add3A_123 = arith.addf %sub3A_120, %add3A_122 : vector<256x128xf32>
    %lt3A_124 = arith.cmpf olt, %add3A_123, %select_n3A_117 : vector<256x128xf32>
    %jit3A_125 = arith.constant 10 : i32
    %broadcast_in_dim3A_126 = vector.broadcast %jit3A_125 : i32 to vector<256x128xi32>
    %select_n3A_127 = arith.select %lt3A_124, %broadcast_in_dim3A_126, %select_n3A_116 : vector<256x128xi1>, vector<256x128xi32>
    %select_n3A_128 = arith.select %lt3A_124, %add3A_123, %select_n3A_117 : vector<256x128xi1>, vector<256x128xf32>
    %slice3A_129 = vector.extract_strided_slice %dot_general3A_11 {offsets = [0, 1408], sizes = [256, 128], strides = [1, 1]} : vector<256x8192xf32> to vector<256x128xf32>
    %sub3A_130 = vector.broadcast %broadcast_in_dim3A : vector<256x1xf32> to vector<256x128xf32>
    %sub3A_131 = arith.subf %sub3A_130, %slice3A_129 : vector<256x128xf32>
    %slice3A_132 = vector.extract_strided_slice %get3A_16 {offsets = [0, 1408], sizes = [1, 128], strides = [1, 1]} : vector<1x8192xf32> to vector<1x128xf32>
    %add3A_133 = vector.broadcast %slice3A_132 : vector<1x128xf32> to vector<256x128xf32>
    %add3A_134 = arith.addf %sub3A_131, %add3A_133 : vector<256x128xf32>
    %lt3A_135 = arith.cmpf olt, %add3A_134, %select_n3A_128 : vector<256x128xf32>
    %jit3A_136 = arith.constant 11 : i32
    %broadcast_in_dim3A_137 = vector.broadcast %jit3A_136 : i32 to vector<256x128xi32>
    %select_n3A_138 = arith.select %lt3A_135, %broadcast_in_dim3A_137, %select_n3A_127 : vector<256x128xi1>, vector<256x128xi32>
    %select_n3A_139 = arith.select %lt3A_135, %add3A_134, %select_n3A_128 : vector<256x128xi1>, vector<256x128xf32>
    %slice3A_140 = vector.extract_strided_slice %dot_general3A_11 {offsets = [0, 1536], sizes = [256, 128], strides = [1, 1]} : vector<256x8192xf32> to vector<256x128xf32>
    %sub3A_141 = vector.broadcast %broadcast_in_dim3A : vector<256x1xf32> to vector<256x128xf32>
    %sub3A_142 = arith.subf %sub3A_141, %slice3A_140 : vector<256x128xf32>
    %slice3A_143 = vector.extract_strided_slice %get3A_16 {offsets = [0, 1536], sizes = [1, 128], strides = [1, 1]} : vector<1x8192xf32> to vector<1x128xf32>
    %add3A_144 = vector.broadcast %slice3A_143 : vector<1x128xf32> to vector<256x128xf32>
    %add3A_145 = arith.addf %sub3A_142, %add3A_144 : vector<256x128xf32>
    %lt3A_146 = arith.cmpf olt, %add3A_145, %select_n3A_139 : vector<256x128xf32>
    %jit3A_147 = arith.constant 12 : i32
    %broadcast_in_dim3A_148 = vector.broadcast %jit3A_147 : i32 to vector<256x128xi32>
    %select_n3A_149 = arith.select %lt3A_146, %broadcast_in_dim3A_148, %select_n3A_138 : vector<256x128xi1>, vector<256x128xi32>
    %select_n3A_150 = arith.select %lt3A_146, %add3A_145, %select_n3A_139 : vector<256x128xi1>, vector<256x128xf32>
    %slice3A_151 = vector.extract_strided_slice %dot_general3A_11 {offsets = [0, 1664], sizes = [256, 128], strides = [1, 1]} : vector<256x8192xf32> to vector<256x128xf32>
    %sub3A_152 = vector.broadcast %broadcast_in_dim3A : vector<256x1xf32> to vector<256x128xf32>
    %sub3A_153 = arith.subf %sub3A_152, %slice3A_151 : vector<256x128xf32>
    %slice3A_154 = vector.extract_strided_slice %get3A_16 {offsets = [0, 1664], sizes = [1, 128], strides = [1, 1]} : vector<1x8192xf32> to vector<1x128xf32>
    %add3A_155 = vector.broadcast %slice3A_154 : vector<1x128xf32> to vector<256x128xf32>
    %add3A_156 = arith.addf %sub3A_153, %add3A_155 : vector<256x128xf32>
    %lt3A_157 = arith.cmpf olt, %add3A_156, %select_n3A_150 : vector<256x128xf32>
    %jit3A_158 = arith.constant 13 : i32
    %broadcast_in_dim3A_159 = vector.broadcast %jit3A_158 : i32 to vector<256x128xi32>
    %select_n3A_160 = arith.select %lt3A_157, %broadcast_in_dim3A_159, %select_n3A_149 : vector<256x128xi1>, vector<256x128xi32>
    %select_n3A_161 = arith.select %lt3A_157, %add3A_156, %select_n3A_150 : vector<256x128xi1>, vector<256x128xf32>
    %slice3A_162 = vector.extract_strided_slice %dot_general3A_11 {offsets = [0, 1792], sizes = [256, 128], strides = [1, 1]} : vector<256x8192xf32> to vector<256x128xf32>
    %sub3A_163 = vector.broadcast %broadcast_in_dim3A : vector<256x1xf32> to vector<256x128xf32>
    %sub3A_164 = arith.subf %sub3A_163, %slice3A_162 : vector<256x128xf32>
    %slice3A_165 = vector.extract_strided_slice %get3A_16 {offsets = [0, 1792], sizes = [1, 128], strides = [1, 1]} : vector<1x8192xf32> to vector<1x128xf32>
    %add3A_166 = vector.broadcast %slice3A_165 : vector<1x128xf32> to vector<256x128xf32>
    %add3A_167 = arith.addf %sub3A_164, %add3A_166 : vector<256x128xf32>
    %lt3A_168 = arith.cmpf olt, %add3A_167, %select_n3A_161 : vector<256x128xf32>
    %jit3A_169 = arith.constant 14 : i32
    %broadcast_in_dim3A_170 = vector.broadcast %jit3A_169 : i32 to vector<256x128xi32>
    %select_n3A_171 = arith.select %lt3A_168, %broadcast_in_dim3A_170, %select_n3A_160 : vector<256x128xi1>, vector<256x128xi32>
    %select_n3A_172 = arith.select %lt3A_168, %add3A_167, %select_n3A_161 : vector<256x128xi1>, vector<256x128xf32>
    %slice3A_173 = vector.extract_strided_slice %dot_general3A_11 {offsets = [0, 1920], sizes = [256, 128], strides = [1, 1]} : vector<256x8192xf32> to vector<256x128xf32>
    %sub3A_174 = vector.broadcast %broadcast_in_dim3A : vector<256x1xf32> to vector<256x128xf32>
    %sub3A_175 = arith.subf %sub3A_174, %slice3A_173 : vector<256x128xf32>
    %slice3A_176 = vector.extract_strided_slice %get3A_16 {offsets = [0, 1920], sizes = [1, 128], strides = [1, 1]} : vector<1x8192xf32> to vector<1x128xf32>
    %add3A_177 = vector.broadcast %slice3A_176 : vector<1x128xf32> to vector<256x128xf32>
    %add3A_178 = arith.addf %sub3A_175, %add3A_177 : vector<256x128xf32>
    %lt3A_179 = arith.cmpf olt, %add3A_178, %select_n3A_172 : vector<256x128xf32>
    %jit3A_180 = arith.constant 15 : i32
    %broadcast_in_dim3A_181 = vector.broadcast %jit3A_180 : i32 to vector<256x128xi32>
    %select_n3A_182 = arith.select %lt3A_179, %broadcast_in_dim3A_181, %select_n3A_171 : vector<256x128xi1>, vector<256x128xi32>
    %select_n3A_183 = arith.select %lt3A_179, %add3A_178, %select_n3A_172 : vector<256x128xi1>, vector<256x128xf32>
    %slice3A_184 = vector.extract_strided_slice %dot_general3A_11 {offsets = [0, 2048], sizes = [256, 128], strides = [1, 1]} : vector<256x8192xf32> to vector<256x128xf32>
    %sub3A_185 = vector.broadcast %broadcast_in_dim3A : vector<256x1xf32> to vector<256x128xf32>
    %sub3A_186 = arith.subf %sub3A_185, %slice3A_184 : vector<256x128xf32>
    %slice3A_187 = vector.extract_strided_slice %get3A_16 {offsets = [0, 2048], sizes = [1, 128], strides = [1, 1]} : vector<1x8192xf32> to vector<1x128xf32>
    %add3A_188 = vector.broadcast %slice3A_187 : vector<1x128xf32> to vector<256x128xf32>
    %add3A_189 = arith.addf %sub3A_186, %add3A_188 : vector<256x128xf32>
    %lt3A_190 = arith.cmpf olt, %add3A_189, %select_n3A_183 : vector<256x128xf32>
    %jit3A_191 = arith.constant 16 : i32
    %broadcast_in_dim3A_192 = vector.broadcast %jit3A_191 : i32 to vector<256x128xi32>
    %select_n3A_193 = arith.select %lt3A_190, %broadcast_in_dim3A_192, %select_n3A_182 : vector<256x128xi1>, vector<256x128xi32>
    %select_n3A_194 = arith.select %lt3A_190, %add3A_189, %select_n3A_183 : vector<256x128xi1>, vector<256x128xf32>
    %slice3A_195 = vector.extract_strided_slice %dot_general3A_11 {offsets = [0, 2176], sizes = [256, 128], strides = [1, 1]} : vector<256x8192xf32> to vector<256x128xf32>
    %sub3A_196 = vector.broadcast %broadcast_in_dim3A : vector<256x1xf32> to vector<256x128xf32>
    %sub3A_197 = arith.subf %sub3A_196, %slice3A_195 : vector<256x128xf32>
    %slice3A_198 = vector.extract_strided_slice %get3A_16 {offsets = [0, 2176], sizes = [1, 128], strides = [1, 1]} : vector<1x8192xf32> to vector<1x128xf32>
    %add3A_199 = vector.broadcast %slice3A_198 : vector<1x128xf32> to vector<256x128xf32>
    %add3A_200 = arith.addf %sub3A_197, %add3A_199 : vector<256x128xf32>
    %lt3A_201 = arith.cmpf olt, %add3A_200, %select_n3A_194 : vector<256x128xf32>
    %jit3A_202 = arith.constant 17 : i32
    %broadcast_in_dim3A_203 = vector.broadcast %jit3A_202 : i32 to vector<256x128xi32>
    %select_n3A_204 = arith.select %lt3A_201, %broadcast_in_dim3A_203, %select_n3A_193 : vector<256x128xi1>, vector<256x128xi32>
    %select_n3A_205 = arith.select %lt3A_201, %add3A_200, %select_n3A_194 : vector<256x128xi1>, vector<256x128xf32>
    %slice3A_206 = vector.extract_strided_slice %dot_general3A_11 {offsets = [0, 2304], sizes = [256, 128], strides = [1, 1]} : vector<256x8192xf32> to vector<256x128xf32>
    %sub3A_207 = vector.broadcast %broadcast_in_dim3A : vector<256x1xf32> to vector<256x128xf32>
    %sub3A_208 = arith.subf %sub3A_207, %slice3A_206 : vector<256x128xf32>
    %slice3A_209 = vector.extract_strided_slice %get3A_16 {offsets = [0, 2304], sizes = [1, 128], strides = [1, 1]} : vector<1x8192xf32> to vector<1x128xf32>
    %add3A_210 = vector.broadcast %slice3A_209 : vector<1x128xf32> to vector<256x128xf32>
    %add3A_211 = arith.addf %sub3A_208, %add3A_210 : vector<256x128xf32>
    %lt3A_212 = arith.cmpf olt, %add3A_211, %select_n3A_205 : vector<256x128xf32>
    %jit3A_213 = arith.constant 18 : i32
    %broadcast_in_dim3A_214 = vector.broadcast %jit3A_213 : i32 to vector<256x128xi32>
    %select_n3A_215 = arith.select %lt3A_212, %broadcast_in_dim3A_214, %select_n3A_204 : vector<256x128xi1>, vector<256x128xi32>
    %select_n3A_216 = arith.select %lt3A_212, %add3A_211, %select_n3A_205 : vector<256x128xi1>, vector<256x128xf32>
    %slice3A_217 = vector.extract_strided_slice %dot_general3A_11 {offsets = [0, 2432], sizes = [256, 128], strides = [1, 1]} : vector<256x8192xf32> to vector<256x128xf32>
    %sub3A_218 = vector.broadcast %broadcast_in_dim3A : vector<256x1xf32> to vector<256x128xf32>
    %sub3A_219 = arith.subf %sub3A_218, %slice3A_217 : vector<256x128xf32>
    %slice3A_220 = vector.extract_strided_slice %get3A_16 {offsets = [0, 2432], sizes = [1, 128], strides = [1, 1]} : vector<1x8192xf32> to vector<1x128xf32>
    %add3A_221 = vector.broadcast %slice3A_220 : vector<1x128xf32> to vector<256x128xf32>
    %add3A_222 = arith.addf %sub3A_219, %add3A_221 : vector<256x128xf32>
    %lt3A_223 = arith.cmpf olt, %add3A_222, %select_n3A_216 : vector<256x128xf32>
    %jit3A_224 = arith.constant 19 : i32
    %broadcast_in_dim3A_225 = vector.broadcast %jit3A_224 : i32 to vector<256x128xi32>
    %select_n3A_226 = arith.select %lt3A_223, %broadcast_in_dim3A_225, %select_n3A_215 : vector<256x128xi1>, vector<256x128xi32>
    %select_n3A_227 = arith.select %lt3A_223, %add3A_222, %select_n3A_216 : vector<256x128xi1>, vector<256x128xf32>
    %slice3A_228 = vector.extract_strided_slice %dot_general3A_11 {offsets = [0, 2560], sizes = [256, 128], strides = [1, 1]} : vector<256x8192xf32> to vector<256x128xf32>
    %sub3A_229 = vector.broadcast %broadcast_in_dim3A : vector<256x1xf32> to vector<256x128xf32>
    %sub3A_230 = arith.subf %sub3A_229, %slice3A_228 : vector<256x128xf32>
    %slice3A_231 = vector.extract_strided_slice %get3A_16 {offsets = [0, 2560], sizes = [1, 128], strides = [1, 1]} : vector<1x8192xf32> to vector<1x128xf32>
    %add3A_232 = vector.broadcast %slice3A_231 : vector<1x128xf32> to vector<256x128xf32>
    %add3A_233 = arith.addf %sub3A_230, %add3A_232 : vector<256x128xf32>
    %lt3A_234 = arith.cmpf olt, %add3A_233, %select_n3A_227 : vector<256x128xf32>
    %jit3A_235 = arith.constant 20 : i32
    %broadcast_in_dim3A_236 = vector.broadcast %jit3A_235 : i32 to vector<256x128xi32>
    %select_n3A_237 = arith.select %lt3A_234, %broadcast_in_dim3A_236, %select_n3A_226 : vector<256x128xi1>, vector<256x128xi32>
    %select_n3A_238 = arith.select %lt3A_234, %add3A_233, %select_n3A_227 : vector<256x128xi1>, vector<256x128xf32>
    %slice3A_239 = vector.extract_strided_slice %dot_general3A_11 {offsets = [0, 2688], sizes = [256, 128], strides = [1, 1]} : vector<256x8192xf32> to vector<256x128xf32>
    %sub3A_240 = vector.broadcast %broadcast_in_dim3A : vector<256x1xf32> to vector<256x128xf32>
    %sub3A_241 = arith.subf %sub3A_240, %slice3A_239 : vector<256x128xf32>
    %slice3A_242 = vector.extract_strided_slice %get3A_16 {offsets = [0, 2688], sizes = [1, 128], strides = [1, 1]} : vector<1x8192xf32> to vector<1x128xf32>
    %add3A_243 = vector.broadcast %slice3A_242 : vector<1x128xf32> to vector<256x128xf32>
    %add3A_244 = arith.addf %sub3A_241, %add3A_243 : vector<256x128xf32>
    %lt3A_245 = arith.cmpf olt, %add3A_244, %select_n3A_238 : vector<256x128xf32>
    %jit3A_246 = arith.constant 21 : i32
    %broadcast_in_dim3A_247 = vector.broadcast %jit3A_246 : i32 to vector<256x128xi32>
    %select_n3A_248 = arith.select %lt3A_245, %broadcast_in_dim3A_247, %select_n3A_237 : vector<256x128xi1>, vector<256x128xi32>
    %select_n3A_249 = arith.select %lt3A_245, %add3A_244, %select_n3A_238 : vector<256x128xi1>, vector<256x128xf32>
    %slice3A_250 = vector.extract_strided_slice %dot_general3A_11 {offsets = [0, 2816], sizes = [256, 128], strides = [1, 1]} : vector<256x8192xf32> to vector<256x128xf32>
    %sub3A_251 = vector.broadcast %broadcast_in_dim3A : vector<256x1xf32> to vector<256x128xf32>
    %sub3A_252 = arith.subf %sub3A_251, %slice3A_250 : vector<256x128xf32>
    %slice3A_253 = vector.extract_strided_slice %get3A_16 {offsets = [0, 2816], sizes = [1, 128], strides = [1, 1]} : vector<1x8192xf32> to vector<1x128xf32>
    %add3A_254 = vector.broadcast %slice3A_253 : vector<1x128xf32> to vector<256x128xf32>
    %add3A_255 = arith.addf %sub3A_252, %add3A_254 : vector<256x128xf32>
    %lt3A_256 = arith.cmpf olt, %add3A_255, %select_n3A_249 : vector<256x128xf32>
    %jit3A_257 = arith.constant 22 : i32
    %broadcast_in_dim3A_258 = vector.broadcast %jit3A_257 : i32 to vector<256x128xi32>
    %select_n3A_259 = arith.select %lt3A_256, %broadcast_in_dim3A_258, %select_n3A_248 : vector<256x128xi1>, vector<256x128xi32>
    %select_n3A_260 = arith.select %lt3A_256, %add3A_255, %select_n3A_249 : vector<256x128xi1>, vector<256x128xf32>
    %slice3A_261 = vector.extract_strided_slice %dot_general3A_11 {offsets = [0, 2944], sizes = [256, 128], strides = [1, 1]} : vector<256x8192xf32> to vector<256x128xf32>
    %sub3A_262 = vector.broadcast %broadcast_in_dim3A : vector<256x1xf32> to vector<256x128xf32>
    %sub3A_263 = arith.subf %sub3A_262, %slice3A_261 : vector<256x128xf32>
    %slice3A_264 = vector.extract_strided_slice %get3A_16 {offsets = [0, 2944], sizes = [1, 128], strides = [1, 1]} : vector<1x8192xf32> to vector<1x128xf32>
    %add3A_265 = vector.broadcast %slice3A_264 : vector<1x128xf32> to vector<256x128xf32>
    %add3A_266 = arith.addf %sub3A_263, %add3A_265 : vector<256x128xf32>
    %lt3A_267 = arith.cmpf olt, %add3A_266, %select_n3A_260 : vector<256x128xf32>
    %jit3A_268 = arith.constant 23 : i32
    %broadcast_in_dim3A_269 = vector.broadcast %jit3A_268 : i32 to vector<256x128xi32>
    %select_n3A_270 = arith.select %lt3A_267, %broadcast_in_dim3A_269, %select_n3A_259 : vector<256x128xi1>, vector<256x128xi32>
    %select_n3A_271 = arith.select %lt3A_267, %add3A_266, %select_n3A_260 : vector<256x128xi1>, vector<256x128xf32>
    %slice3A_272 = vector.extract_strided_slice %dot_general3A_11 {offsets = [0, 3072], sizes = [256, 128], strides = [1, 1]} : vector<256x8192xf32> to vector<256x128xf32>
    %sub3A_273 = vector.broadcast %broadcast_in_dim3A : vector<256x1xf32> to vector<256x128xf32>
    %sub3A_274 = arith.subf %sub3A_273, %slice3A_272 : vector<256x128xf32>
    %slice3A_275 = vector.extract_strided_slice %get3A_16 {offsets = [0, 3072], sizes = [1, 128], strides = [1, 1]} : vector<1x8192xf32> to vector<1x128xf32>
    %add3A_276 = vector.broadcast %slice3A_275 : vector<1x128xf32> to vector<256x128xf32>
    %add3A_277 = arith.addf %sub3A_274, %add3A_276 : vector<256x128xf32>
    %lt3A_278 = arith.cmpf olt, %add3A_277, %select_n3A_271 : vector<256x128xf32>
    %jit3A_279 = arith.constant 24 : i32
    %broadcast_in_dim3A_280 = vector.broadcast %jit3A_279 : i32 to vector<256x128xi32>
    %select_n3A_281 = arith.select %lt3A_278, %broadcast_in_dim3A_280, %select_n3A_270 : vector<256x128xi1>, vector<256x128xi32>
    %select_n3A_282 = arith.select %lt3A_278, %add3A_277, %select_n3A_271 : vector<256x128xi1>, vector<256x128xf32>
    %slice3A_283 = vector.extract_strided_slice %dot_general3A_11 {offsets = [0, 3200], sizes = [256, 128], strides = [1, 1]} : vector<256x8192xf32> to vector<256x128xf32>
    %sub3A_284 = vector.broadcast %broadcast_in_dim3A : vector<256x1xf32> to vector<256x128xf32>
    %sub3A_285 = arith.subf %sub3A_284, %slice3A_283 : vector<256x128xf32>
    %slice3A_286 = vector.extract_strided_slice %get3A_16 {offsets = [0, 3200], sizes = [1, 128], strides = [1, 1]} : vector<1x8192xf32> to vector<1x128xf32>
    %add3A_287 = vector.broadcast %slice3A_286 : vector<1x128xf32> to vector<256x128xf32>
    %add3A_288 = arith.addf %sub3A_285, %add3A_287 : vector<256x128xf32>
    %lt3A_289 = arith.cmpf olt, %add3A_288, %select_n3A_282 : vector<256x128xf32>
    %jit3A_290 = arith.constant 25 : i32
    %broadcast_in_dim3A_291 = vector.broadcast %jit3A_290 : i32 to vector<256x128xi32>
    %select_n3A_292 = arith.select %lt3A_289, %broadcast_in_dim3A_291, %select_n3A_281 : vector<256x128xi1>, vector<256x128xi32>
    %select_n3A_293 = arith.select %lt3A_289, %add3A_288, %select_n3A_282 : vector<256x128xi1>, vector<256x128xf32>
    %slice3A_294 = vector.extract_strided_slice %dot_general3A_11 {offsets = [0, 3328], sizes = [256, 128], strides = [1, 1]} : vector<256x8192xf32> to vector<256x128xf32>
    %sub3A_295 = vector.broadcast %broadcast_in_dim3A : vector<256x1xf32> to vector<256x128xf32>
    %sub3A_296 = arith.subf %sub3A_295, %slice3A_294 : vector<256x128xf32>
    %slice3A_297 = vector.extract_strided_slice %get3A_16 {offsets = [0, 3328], sizes = [1, 128], strides = [1, 1]} : vector<1x8192xf32> to vector<1x128xf32>
    %add3A_298 = vector.broadcast %slice3A_297 : vector<1x128xf32> to vector<256x128xf32>
    %add3A_299 = arith.addf %sub3A_296, %add3A_298 : vector<256x128xf32>
    %lt3A_300 = arith.cmpf olt, %add3A_299, %select_n3A_293 : vector<256x128xf32>
    %jit3A_301 = arith.constant 26 : i32
    %broadcast_in_dim3A_302 = vector.broadcast %jit3A_301 : i32 to vector<256x128xi32>
    %select_n3A_303 = arith.select %lt3A_300, %broadcast_in_dim3A_302, %select_n3A_292 : vector<256x128xi1>, vector<256x128xi32>
    %select_n3A_304 = arith.select %lt3A_300, %add3A_299, %select_n3A_293 : vector<256x128xi1>, vector<256x128xf32>
    %slice3A_305 = vector.extract_strided_slice %dot_general3A_11 {offsets = [0, 3456], sizes = [256, 128], strides = [1, 1]} : vector<256x8192xf32> to vector<256x128xf32>
    %sub3A_306 = vector.broadcast %broadcast_in_dim3A : vector<256x1xf32> to vector<256x128xf32>
    %sub3A_307 = arith.subf %sub3A_306, %slice3A_305 : vector<256x128xf32>
    %slice3A_308 = vector.extract_strided_slice %get3A_16 {offsets = [0, 3456], sizes = [1, 128], strides = [1, 1]} : vector<1x8192xf32> to vector<1x128xf32>
    %add3A_309 = vector.broadcast %slice3A_308 : vector<1x128xf32> to vector<256x128xf32>
    %add3A_310 = arith.addf %sub3A_307, %add3A_309 : vector<256x128xf32>
    %lt3A_311 = arith.cmpf olt, %add3A_310, %select_n3A_304 : vector<256x128xf32>
    %jit3A_312 = arith.constant 27 : i32
    %broadcast_in_dim3A_313 = vector.broadcast %jit3A_312 : i32 to vector<256x128xi32>
    %select_n3A_314 = arith.select %lt3A_311, %broadcast_in_dim3A_313, %select_n3A_303 : vector<256x128xi1>, vector<256x128xi32>
    %select_n3A_315 = arith.select %lt3A_311, %add3A_310, %select_n3A_304 : vector<256x128xi1>, vector<256x128xf32>
    %slice3A_316 = vector.extract_strided_slice %dot_general3A_11 {offsets = [0, 3584], sizes = [256, 128], strides = [1, 1]} : vector<256x8192xf32> to vector<256x128xf32>
    %sub3A_317 = vector.broadcast %broadcast_in_dim3A : vector<256x1xf32> to vector<256x128xf32>
    %sub3A_318 = arith.subf %sub3A_317, %slice3A_316 : vector<256x128xf32>
    %slice3A_319 = vector.extract_strided_slice %get3A_16 {offsets = [0, 3584], sizes = [1, 128], strides = [1, 1]} : vector<1x8192xf32> to vector<1x128xf32>
    %add3A_320 = vector.broadcast %slice3A_319 : vector<1x128xf32> to vector<256x128xf32>
    %add3A_321 = arith.addf %sub3A_318, %add3A_320 : vector<256x128xf32>
    %lt3A_322 = arith.cmpf olt, %add3A_321, %select_n3A_315 : vector<256x128xf32>
    %jit3A_323 = arith.constant 28 : i32
    %broadcast_in_dim3A_324 = vector.broadcast %jit3A_323 : i32 to vector<256x128xi32>
    %select_n3A_325 = arith.select %lt3A_322, %broadcast_in_dim3A_324, %select_n3A_314 : vector<256x128xi1>, vector<256x128xi32>
    %select_n3A_326 = arith.select %lt3A_322, %add3A_321, %select_n3A_315 : vector<256x128xi1>, vector<256x128xf32>
    %slice3A_327 = vector.extract_strided_slice %dot_general3A_11 {offsets = [0, 3712], sizes = [256, 128], strides = [1, 1]} : vector<256x8192xf32> to vector<256x128xf32>
    %sub3A_328 = vector.broadcast %broadcast_in_dim3A : vector<256x1xf32> to vector<256x128xf32>
    %sub3A_329 = arith.subf %sub3A_328, %slice3A_327 : vector<256x128xf32>
    %slice3A_330 = vector.extract_strided_slice %get3A_16 {offsets = [0, 3712], sizes = [1, 128], strides = [1, 1]} : vector<1x8192xf32> to vector<1x128xf32>
    %add3A_331 = vector.broadcast %slice3A_330 : vector<1x128xf32> to vector<256x128xf32>
    %add3A_332 = arith.addf %sub3A_329, %add3A_331 : vector<256x128xf32>
    %lt3A_333 = arith.cmpf olt, %add3A_332, %select_n3A_326 : vector<256x128xf32>
    %jit3A_334 = arith.constant 29 : i32
    %broadcast_in_dim3A_335 = vector.broadcast %jit3A_334 : i32 to vector<256x128xi32>
    %select_n3A_336 = arith.select %lt3A_333, %broadcast_in_dim3A_335, %select_n3A_325 : vector<256x128xi1>, vector<256x128xi32>
    %select_n3A_337 = arith.select %lt3A_333, %add3A_332, %select_n3A_326 : vector<256x128xi1>, vector<256x128xf32>
    %slice3A_338 = vector.extract_strided_slice %dot_general3A_11 {offsets = [0, 3840], sizes = [256, 128], strides = [1, 1]} : vector<256x8192xf32> to vector<256x128xf32>
    %sub3A_339 = vector.broadcast %broadcast_in_dim3A : vector<256x1xf32> to vector<256x128xf32>
    %sub3A_340 = arith.subf %sub3A_339, %slice3A_338 : vector<256x128xf32>
    %slice3A_341 = vector.extract_strided_slice %get3A_16 {offsets = [0, 3840], sizes = [1, 128], strides = [1, 1]} : vector<1x8192xf32> to vector<1x128xf32>
    %add3A_342 = vector.broadcast %slice3A_341 : vector<1x128xf32> to vector<256x128xf32>
    %add3A_343 = arith.addf %sub3A_340, %add3A_342 : vector<256x128xf32>
    %lt3A_344 = arith.cmpf olt, %add3A_343, %select_n3A_337 : vector<256x128xf32>
    %jit3A_345 = arith.constant 30 : i32
    %broadcast_in_dim3A_346 = vector.broadcast %jit3A_345 : i32 to vector<256x128xi32>
    %select_n3A_347 = arith.select %lt3A_344, %broadcast_in_dim3A_346, %select_n3A_336 : vector<256x128xi1>, vector<256x128xi32>
    %select_n3A_348 = arith.select %lt3A_344, %add3A_343, %select_n3A_337 : vector<256x128xi1>, vector<256x128xf32>
    %slice3A_349 = vector.extract_strided_slice %dot_general3A_11 {offsets = [0, 3968], sizes = [256, 128], strides = [1, 1]} : vector<256x8192xf32> to vector<256x128xf32>
    %sub3A_350 = vector.broadcast %broadcast_in_dim3A : vector<256x1xf32> to vector<256x128xf32>
    %sub3A_351 = arith.subf %sub3A_350, %slice3A_349 : vector<256x128xf32>
    %slice3A_352 = vector.extract_strided_slice %get3A_16 {offsets = [0, 3968], sizes = [1, 128], strides = [1, 1]} : vector<1x8192xf32> to vector<1x128xf32>
    %add3A_353 = vector.broadcast %slice3A_352 : vector<1x128xf32> to vector<256x128xf32>
    %add3A_354 = arith.addf %sub3A_351, %add3A_353 : vector<256x128xf32>
    %lt3A_355 = arith.cmpf olt, %add3A_354, %select_n3A_348 : vector<256x128xf32>
    %jit3A_356 = arith.constant 31 : i32
    %broadcast_in_dim3A_357 = vector.broadcast %jit3A_356 : i32 to vector<256x128xi32>
    %select_n3A_358 = arith.select %lt3A_355, %broadcast_in_dim3A_357, %select_n3A_347 : vector<256x128xi1>, vector<256x128xi32>
    %select_n3A_359 = arith.select %lt3A_355, %add3A_354, %select_n3A_348 : vector<256x128xi1>, vector<256x128xf32>
    %reduce_min3A = arith.constant dense<0x7F800000> : vector<256xf32>
    %reduce_min3A_360 = vector.multi_reduction <minimumf>, %select_n3A_359, %reduce_min3A [1] : vector<256x128xf32> to vector<256xf32>
    %broadcast_in_dim3A_361 = vector.shape_cast %reduce_min3A_360 : vector<256xf32> to vector<256x1xf32>
    %mul3A_362 = arith.constant 128 : i32
    %mul3A_363 = vector.broadcast %mul3A_362 : i32 to vector<256x128xi32>
    %mul3A_364 = arith.muli %select_n3A_358, %mul3A_363 : vector<256x128xi32>
    %add3A_365 = arith.addi %mul3A_364, %iota3A : vector<256x128xi32>
    %eq3A_366 = vector.broadcast %broadcast_in_dim3A_361 : vector<256x1xf32> to vector<256x128xf32>
    %eq3A_367 = arith.cmpf oeq, %select_n3A_359, %eq3A_366 : vector<256x128xf32>
    %jit3A_368 = arith.constant 8192 : i32
    %broadcast_in_dim3A_369 = vector.broadcast %jit3A_368 : i32 to vector<256x128xi32>
    %select_n3A_370 = arith.select %eq3A_367, %add3A_365, %broadcast_in_dim3A_369 : vector<256x128xi1>, vector<256x128xi32>
    %reduce_min3A_371 = arith.constant dense<2147483647> : vector<256xi32>
    %reduce_min3A_372 = vector.multi_reduction <minsi>, %select_n3A_370, %reduce_min3A_371 [1] : vector<256x128xi32> to vector<256xi32>
    %squeeze3A = vector.shape_cast %broadcast_in_dim3A_361 : vector<256x1xf32> to vector<256xf32>
    %slice3A_373 = vector.extract_strided_slice %dot_general3A_11 {offsets = [0, 4096], sizes = [256, 128], strides = [1, 1]} : vector<256x8192xf32> to vector<256x128xf32>
    %sub3A_374 = vector.broadcast %broadcast_in_dim3A : vector<256x1xf32> to vector<256x128xf32>
    %sub3A_375 = arith.subf %sub3A_374, %slice3A_373 : vector<256x128xf32>
    %slice3A_376 = vector.extract_strided_slice %get3A_16 {offsets = [0, 4096], sizes = [1, 128], strides = [1, 1]} : vector<1x8192xf32> to vector<1x128xf32>
    %add3A_377 = vector.broadcast %slice3A_376 : vector<1x128xf32> to vector<256x128xf32>
    %add3A_378 = arith.addf %sub3A_375, %add3A_377 : vector<256x128xf32>
    %broadcast_in_dim3A_379 = arith.constant 0 : i32
    %broadcast_in_dim3A_380 = vector.broadcast %broadcast_in_dim3A_379 : i32 to vector<256x128xi32>
    %slice3A_381 = vector.extract_strided_slice %dot_general3A_11 {offsets = [0, 4224], sizes = [256, 128], strides = [1, 1]} : vector<256x8192xf32> to vector<256x128xf32>
    %sub3A_382 = vector.broadcast %broadcast_in_dim3A : vector<256x1xf32> to vector<256x128xf32>
    %sub3A_383 = arith.subf %sub3A_382, %slice3A_381 : vector<256x128xf32>
    %slice3A_384 = vector.extract_strided_slice %get3A_16 {offsets = [0, 4224], sizes = [1, 128], strides = [1, 1]} : vector<1x8192xf32> to vector<1x128xf32>
    %add3A_385 = vector.broadcast %slice3A_384 : vector<1x128xf32> to vector<256x128xf32>
    %add3A_386 = arith.addf %sub3A_383, %add3A_385 : vector<256x128xf32>
    %lt3A_387 = arith.cmpf olt, %add3A_386, %add3A_378 : vector<256x128xf32>
    %jit3A_388 = arith.constant 1 : i32
    %broadcast_in_dim3A_389 = vector.broadcast %jit3A_388 : i32 to vector<256x128xi32>
    %select_n3A_390 = arith.select %lt3A_387, %broadcast_in_dim3A_389, %broadcast_in_dim3A_380 : vector<256x128xi1>, vector<256x128xi32>
    %select_n3A_391 = arith.select %lt3A_387, %add3A_386, %add3A_378 : vector<256x128xi1>, vector<256x128xf32>
    %slice3A_392 = vector.extract_strided_slice %dot_general3A_11 {offsets = [0, 4352], sizes = [256, 128], strides = [1, 1]} : vector<256x8192xf32> to vector<256x128xf32>
    %sub3A_393 = vector.broadcast %broadcast_in_dim3A : vector<256x1xf32> to vector<256x128xf32>
    %sub3A_394 = arith.subf %sub3A_393, %slice3A_392 : vector<256x128xf32>
    %slice3A_395 = vector.extract_strided_slice %get3A_16 {offsets = [0, 4352], sizes = [1, 128], strides = [1, 1]} : vector<1x8192xf32> to vector<1x128xf32>
    %add3A_396 = vector.broadcast %slice3A_395 : vector<1x128xf32> to vector<256x128xf32>
    %add3A_397 = arith.addf %sub3A_394, %add3A_396 : vector<256x128xf32>
    %lt3A_398 = arith.cmpf olt, %add3A_397, %select_n3A_391 : vector<256x128xf32>
    %jit3A_399 = arith.constant 2 : i32
    %broadcast_in_dim3A_400 = vector.broadcast %jit3A_399 : i32 to vector<256x128xi32>
    %select_n3A_401 = arith.select %lt3A_398, %broadcast_in_dim3A_400, %select_n3A_390 : vector<256x128xi1>, vector<256x128xi32>
    %select_n3A_402 = arith.select %lt3A_398, %add3A_397, %select_n3A_391 : vector<256x128xi1>, vector<256x128xf32>
    %slice3A_403 = vector.extract_strided_slice %dot_general3A_11 {offsets = [0, 4480], sizes = [256, 128], strides = [1, 1]} : vector<256x8192xf32> to vector<256x128xf32>
    %sub3A_404 = vector.broadcast %broadcast_in_dim3A : vector<256x1xf32> to vector<256x128xf32>
    %sub3A_405 = arith.subf %sub3A_404, %slice3A_403 : vector<256x128xf32>
    %slice3A_406 = vector.extract_strided_slice %get3A_16 {offsets = [0, 4480], sizes = [1, 128], strides = [1, 1]} : vector<1x8192xf32> to vector<1x128xf32>
    %add3A_407 = vector.broadcast %slice3A_406 : vector<1x128xf32> to vector<256x128xf32>
    %add3A_408 = arith.addf %sub3A_405, %add3A_407 : vector<256x128xf32>
    %lt3A_409 = arith.cmpf olt, %add3A_408, %select_n3A_402 : vector<256x128xf32>
    %jit3A_410 = arith.constant 3 : i32
    %broadcast_in_dim3A_411 = vector.broadcast %jit3A_410 : i32 to vector<256x128xi32>
    %select_n3A_412 = arith.select %lt3A_409, %broadcast_in_dim3A_411, %select_n3A_401 : vector<256x128xi1>, vector<256x128xi32>
    %select_n3A_413 = arith.select %lt3A_409, %add3A_408, %select_n3A_402 : vector<256x128xi1>, vector<256x128xf32>
    %slice3A_414 = vector.extract_strided_slice %dot_general3A_11 {offsets = [0, 4608], sizes = [256, 128], strides = [1, 1]} : vector<256x8192xf32> to vector<256x128xf32>
    %sub3A_415 = vector.broadcast %broadcast_in_dim3A : vector<256x1xf32> to vector<256x128xf32>
    %sub3A_416 = arith.subf %sub3A_415, %slice3A_414 : vector<256x128xf32>
    %slice3A_417 = vector.extract_strided_slice %get3A_16 {offsets = [0, 4608], sizes = [1, 128], strides = [1, 1]} : vector<1x8192xf32> to vector<1x128xf32>
    %add3A_418 = vector.broadcast %slice3A_417 : vector<1x128xf32> to vector<256x128xf32>
    %add3A_419 = arith.addf %sub3A_416, %add3A_418 : vector<256x128xf32>
    %lt3A_420 = arith.cmpf olt, %add3A_419, %select_n3A_413 : vector<256x128xf32>
    %jit3A_421 = arith.constant 4 : i32
    %broadcast_in_dim3A_422 = vector.broadcast %jit3A_421 : i32 to vector<256x128xi32>
    %select_n3A_423 = arith.select %lt3A_420, %broadcast_in_dim3A_422, %select_n3A_412 : vector<256x128xi1>, vector<256x128xi32>
    %select_n3A_424 = arith.select %lt3A_420, %add3A_419, %select_n3A_413 : vector<256x128xi1>, vector<256x128xf32>
    %slice3A_425 = vector.extract_strided_slice %dot_general3A_11 {offsets = [0, 4736], sizes = [256, 128], strides = [1, 1]} : vector<256x8192xf32> to vector<256x128xf32>
    %sub3A_426 = vector.broadcast %broadcast_in_dim3A : vector<256x1xf32> to vector<256x128xf32>
    %sub3A_427 = arith.subf %sub3A_426, %slice3A_425 : vector<256x128xf32>
    %slice3A_428 = vector.extract_strided_slice %get3A_16 {offsets = [0, 4736], sizes = [1, 128], strides = [1, 1]} : vector<1x8192xf32> to vector<1x128xf32>
    %add3A_429 = vector.broadcast %slice3A_428 : vector<1x128xf32> to vector<256x128xf32>
    %add3A_430 = arith.addf %sub3A_427, %add3A_429 : vector<256x128xf32>
    %lt3A_431 = arith.cmpf olt, %add3A_430, %select_n3A_424 : vector<256x128xf32>
    %jit3A_432 = arith.constant 5 : i32
    %broadcast_in_dim3A_433 = vector.broadcast %jit3A_432 : i32 to vector<256x128xi32>
    %select_n3A_434 = arith.select %lt3A_431, %broadcast_in_dim3A_433, %select_n3A_423 : vector<256x128xi1>, vector<256x128xi32>
    %select_n3A_435 = arith.select %lt3A_431, %add3A_430, %select_n3A_424 : vector<256x128xi1>, vector<256x128xf32>
    %slice3A_436 = vector.extract_strided_slice %dot_general3A_11 {offsets = [0, 4864], sizes = [256, 128], strides = [1, 1]} : vector<256x8192xf32> to vector<256x128xf32>
    %sub3A_437 = vector.broadcast %broadcast_in_dim3A : vector<256x1xf32> to vector<256x128xf32>
    %sub3A_438 = arith.subf %sub3A_437, %slice3A_436 : vector<256x128xf32>
    %slice3A_439 = vector.extract_strided_slice %get3A_16 {offsets = [0, 4864], sizes = [1, 128], strides = [1, 1]} : vector<1x8192xf32> to vector<1x128xf32>
    %add3A_440 = vector.broadcast %slice3A_439 : vector<1x128xf32> to vector<256x128xf32>
    %add3A_441 = arith.addf %sub3A_438, %add3A_440 : vector<256x128xf32>
    %lt3A_442 = arith.cmpf olt, %add3A_441, %select_n3A_435 : vector<256x128xf32>
    %jit3A_443 = arith.constant 6 : i32
    %broadcast_in_dim3A_444 = vector.broadcast %jit3A_443 : i32 to vector<256x128xi32>
    %select_n3A_445 = arith.select %lt3A_442, %broadcast_in_dim3A_444, %select_n3A_434 : vector<256x128xi1>, vector<256x128xi32>
    %select_n3A_446 = arith.select %lt3A_442, %add3A_441, %select_n3A_435 : vector<256x128xi1>, vector<256x128xf32>
    %slice3A_447 = vector.extract_strided_slice %dot_general3A_11 {offsets = [0, 4992], sizes = [256, 128], strides = [1, 1]} : vector<256x8192xf32> to vector<256x128xf32>
    %sub3A_448 = vector.broadcast %broadcast_in_dim3A : vector<256x1xf32> to vector<256x128xf32>
    %sub3A_449 = arith.subf %sub3A_448, %slice3A_447 : vector<256x128xf32>
    %slice3A_450 = vector.extract_strided_slice %get3A_16 {offsets = [0, 4992], sizes = [1, 128], strides = [1, 1]} : vector<1x8192xf32> to vector<1x128xf32>
    %add3A_451 = vector.broadcast %slice3A_450 : vector<1x128xf32> to vector<256x128xf32>
    %add3A_452 = arith.addf %sub3A_449, %add3A_451 : vector<256x128xf32>
    %lt3A_453 = arith.cmpf olt, %add3A_452, %select_n3A_446 : vector<256x128xf32>
    %jit3A_454 = arith.constant 7 : i32
    %broadcast_in_dim3A_455 = vector.broadcast %jit3A_454 : i32 to vector<256x128xi32>
    %select_n3A_456 = arith.select %lt3A_453, %broadcast_in_dim3A_455, %select_n3A_445 : vector<256x128xi1>, vector<256x128xi32>
    %select_n3A_457 = arith.select %lt3A_453, %add3A_452, %select_n3A_446 : vector<256x128xi1>, vector<256x128xf32>
    %slice3A_458 = vector.extract_strided_slice %dot_general3A_11 {offsets = [0, 5120], sizes = [256, 128], strides = [1, 1]} : vector<256x8192xf32> to vector<256x128xf32>
    %sub3A_459 = vector.broadcast %broadcast_in_dim3A : vector<256x1xf32> to vector<256x128xf32>
    %sub3A_460 = arith.subf %sub3A_459, %slice3A_458 : vector<256x128xf32>
    %slice3A_461 = vector.extract_strided_slice %get3A_16 {offsets = [0, 5120], sizes = [1, 128], strides = [1, 1]} : vector<1x8192xf32> to vector<1x128xf32>
    %add3A_462 = vector.broadcast %slice3A_461 : vector<1x128xf32> to vector<256x128xf32>
    %add3A_463 = arith.addf %sub3A_460, %add3A_462 : vector<256x128xf32>
    %lt3A_464 = arith.cmpf olt, %add3A_463, %select_n3A_457 : vector<256x128xf32>
    %jit3A_465 = arith.constant 8 : i32
    %broadcast_in_dim3A_466 = vector.broadcast %jit3A_465 : i32 to vector<256x128xi32>
    %select_n3A_467 = arith.select %lt3A_464, %broadcast_in_dim3A_466, %select_n3A_456 : vector<256x128xi1>, vector<256x128xi32>
    %select_n3A_468 = arith.select %lt3A_464, %add3A_463, %select_n3A_457 : vector<256x128xi1>, vector<256x128xf32>
    %slice3A_469 = vector.extract_strided_slice %dot_general3A_11 {offsets = [0, 5248], sizes = [256, 128], strides = [1, 1]} : vector<256x8192xf32> to vector<256x128xf32>
    %sub3A_470 = vector.broadcast %broadcast_in_dim3A : vector<256x1xf32> to vector<256x128xf32>
    %sub3A_471 = arith.subf %sub3A_470, %slice3A_469 : vector<256x128xf32>
    %slice3A_472 = vector.extract_strided_slice %get3A_16 {offsets = [0, 5248], sizes = [1, 128], strides = [1, 1]} : vector<1x8192xf32> to vector<1x128xf32>
    %add3A_473 = vector.broadcast %slice3A_472 : vector<1x128xf32> to vector<256x128xf32>
    %add3A_474 = arith.addf %sub3A_471, %add3A_473 : vector<256x128xf32>
    %lt3A_475 = arith.cmpf olt, %add3A_474, %select_n3A_468 : vector<256x128xf32>
    %jit3A_476 = arith.constant 9 : i32
    %broadcast_in_dim3A_477 = vector.broadcast %jit3A_476 : i32 to vector<256x128xi32>
    %select_n3A_478 = arith.select %lt3A_475, %broadcast_in_dim3A_477, %select_n3A_467 : vector<256x128xi1>, vector<256x128xi32>
    %select_n3A_479 = arith.select %lt3A_475, %add3A_474, %select_n3A_468 : vector<256x128xi1>, vector<256x128xf32>
    %slice3A_480 = vector.extract_strided_slice %dot_general3A_11 {offsets = [0, 5376], sizes = [256, 128], strides = [1, 1]} : vector<256x8192xf32> to vector<256x128xf32>
    %sub3A_481 = vector.broadcast %broadcast_in_dim3A : vector<256x1xf32> to vector<256x128xf32>
    %sub3A_482 = arith.subf %sub3A_481, %slice3A_480 : vector<256x128xf32>
    %slice3A_483 = vector.extract_strided_slice %get3A_16 {offsets = [0, 5376], sizes = [1, 128], strides = [1, 1]} : vector<1x8192xf32> to vector<1x128xf32>
    %add3A_484 = vector.broadcast %slice3A_483 : vector<1x128xf32> to vector<256x128xf32>
    %add3A_485 = arith.addf %sub3A_482, %add3A_484 : vector<256x128xf32>
    %lt3A_486 = arith.cmpf olt, %add3A_485, %select_n3A_479 : vector<256x128xf32>
    %jit3A_487 = arith.constant 10 : i32
    %broadcast_in_dim3A_488 = vector.broadcast %jit3A_487 : i32 to vector<256x128xi32>
    %select_n3A_489 = arith.select %lt3A_486, %broadcast_in_dim3A_488, %select_n3A_478 : vector<256x128xi1>, vector<256x128xi32>
    %select_n3A_490 = arith.select %lt3A_486, %add3A_485, %select_n3A_479 : vector<256x128xi1>, vector<256x128xf32>
    %slice3A_491 = vector.extract_strided_slice %dot_general3A_11 {offsets = [0, 5504], sizes = [256, 128], strides = [1, 1]} : vector<256x8192xf32> to vector<256x128xf32>
    %sub3A_492 = vector.broadcast %broadcast_in_dim3A : vector<256x1xf32> to vector<256x128xf32>
    %sub3A_493 = arith.subf %sub3A_492, %slice3A_491 : vector<256x128xf32>
    %slice3A_494 = vector.extract_strided_slice %get3A_16 {offsets = [0, 5504], sizes = [1, 128], strides = [1, 1]} : vector<1x8192xf32> to vector<1x128xf32>
    %add3A_495 = vector.broadcast %slice3A_494 : vector<1x128xf32> to vector<256x128xf32>
    %add3A_496 = arith.addf %sub3A_493, %add3A_495 : vector<256x128xf32>
    %lt3A_497 = arith.cmpf olt, %add3A_496, %select_n3A_490 : vector<256x128xf32>
    %jit3A_498 = arith.constant 11 : i32
    %broadcast_in_dim3A_499 = vector.broadcast %jit3A_498 : i32 to vector<256x128xi32>
    %select_n3A_500 = arith.select %lt3A_497, %broadcast_in_dim3A_499, %select_n3A_489 : vector<256x128xi1>, vector<256x128xi32>
    %select_n3A_501 = arith.select %lt3A_497, %add3A_496, %select_n3A_490 : vector<256x128xi1>, vector<256x128xf32>
    %slice3A_502 = vector.extract_strided_slice %dot_general3A_11 {offsets = [0, 5632], sizes = [256, 128], strides = [1, 1]} : vector<256x8192xf32> to vector<256x128xf32>
    %sub3A_503 = vector.broadcast %broadcast_in_dim3A : vector<256x1xf32> to vector<256x128xf32>
    %sub3A_504 = arith.subf %sub3A_503, %slice3A_502 : vector<256x128xf32>
    %slice3A_505 = vector.extract_strided_slice %get3A_16 {offsets = [0, 5632], sizes = [1, 128], strides = [1, 1]} : vector<1x8192xf32> to vector<1x128xf32>
    %add3A_506 = vector.broadcast %slice3A_505 : vector<1x128xf32> to vector<256x128xf32>
    %add3A_507 = arith.addf %sub3A_504, %add3A_506 : vector<256x128xf32>
    %lt3A_508 = arith.cmpf olt, %add3A_507, %select_n3A_501 : vector<256x128xf32>
    %jit3A_509 = arith.constant 12 : i32
    %broadcast_in_dim3A_510 = vector.broadcast %jit3A_509 : i32 to vector<256x128xi32>
    %select_n3A_511 = arith.select %lt3A_508, %broadcast_in_dim3A_510, %select_n3A_500 : vector<256x128xi1>, vector<256x128xi32>
    %select_n3A_512 = arith.select %lt3A_508, %add3A_507, %select_n3A_501 : vector<256x128xi1>, vector<256x128xf32>
    %slice3A_513 = vector.extract_strided_slice %dot_general3A_11 {offsets = [0, 5760], sizes = [256, 128], strides = [1, 1]} : vector<256x8192xf32> to vector<256x128xf32>
    %sub3A_514 = vector.broadcast %broadcast_in_dim3A : vector<256x1xf32> to vector<256x128xf32>
    %sub3A_515 = arith.subf %sub3A_514, %slice3A_513 : vector<256x128xf32>
    %slice3A_516 = vector.extract_strided_slice %get3A_16 {offsets = [0, 5760], sizes = [1, 128], strides = [1, 1]} : vector<1x8192xf32> to vector<1x128xf32>
    %add3A_517 = vector.broadcast %slice3A_516 : vector<1x128xf32> to vector<256x128xf32>
    %add3A_518 = arith.addf %sub3A_515, %add3A_517 : vector<256x128xf32>
    %lt3A_519 = arith.cmpf olt, %add3A_518, %select_n3A_512 : vector<256x128xf32>
    %jit3A_520 = arith.constant 13 : i32
    %broadcast_in_dim3A_521 = vector.broadcast %jit3A_520 : i32 to vector<256x128xi32>
    %select_n3A_522 = arith.select %lt3A_519, %broadcast_in_dim3A_521, %select_n3A_511 : vector<256x128xi1>, vector<256x128xi32>
    %select_n3A_523 = arith.select %lt3A_519, %add3A_518, %select_n3A_512 : vector<256x128xi1>, vector<256x128xf32>
    %slice3A_524 = vector.extract_strided_slice %dot_general3A_11 {offsets = [0, 5888], sizes = [256, 128], strides = [1, 1]} : vector<256x8192xf32> to vector<256x128xf32>
    %sub3A_525 = vector.broadcast %broadcast_in_dim3A : vector<256x1xf32> to vector<256x128xf32>
    %sub3A_526 = arith.subf %sub3A_525, %slice3A_524 : vector<256x128xf32>
    %slice3A_527 = vector.extract_strided_slice %get3A_16 {offsets = [0, 5888], sizes = [1, 128], strides = [1, 1]} : vector<1x8192xf32> to vector<1x128xf32>
    %add3A_528 = vector.broadcast %slice3A_527 : vector<1x128xf32> to vector<256x128xf32>
    %add3A_529 = arith.addf %sub3A_526, %add3A_528 : vector<256x128xf32>
    %lt3A_530 = arith.cmpf olt, %add3A_529, %select_n3A_523 : vector<256x128xf32>
    %jit3A_531 = arith.constant 14 : i32
    %broadcast_in_dim3A_532 = vector.broadcast %jit3A_531 : i32 to vector<256x128xi32>
    %select_n3A_533 = arith.select %lt3A_530, %broadcast_in_dim3A_532, %select_n3A_522 : vector<256x128xi1>, vector<256x128xi32>
    %select_n3A_534 = arith.select %lt3A_530, %add3A_529, %select_n3A_523 : vector<256x128xi1>, vector<256x128xf32>
    %slice3A_535 = vector.extract_strided_slice %dot_general3A_11 {offsets = [0, 6016], sizes = [256, 128], strides = [1, 1]} : vector<256x8192xf32> to vector<256x128xf32>
    %sub3A_536 = vector.broadcast %broadcast_in_dim3A : vector<256x1xf32> to vector<256x128xf32>
    %sub3A_537 = arith.subf %sub3A_536, %slice3A_535 : vector<256x128xf32>
    %slice3A_538 = vector.extract_strided_slice %get3A_16 {offsets = [0, 6016], sizes = [1, 128], strides = [1, 1]} : vector<1x8192xf32> to vector<1x128xf32>
    %add3A_539 = vector.broadcast %slice3A_538 : vector<1x128xf32> to vector<256x128xf32>
    %add3A_540 = arith.addf %sub3A_537, %add3A_539 : vector<256x128xf32>
    %lt3A_541 = arith.cmpf olt, %add3A_540, %select_n3A_534 : vector<256x128xf32>
    %jit3A_542 = arith.constant 15 : i32
    %broadcast_in_dim3A_543 = vector.broadcast %jit3A_542 : i32 to vector<256x128xi32>
    %select_n3A_544 = arith.select %lt3A_541, %broadcast_in_dim3A_543, %select_n3A_533 : vector<256x128xi1>, vector<256x128xi32>
    %select_n3A_545 = arith.select %lt3A_541, %add3A_540, %select_n3A_534 : vector<256x128xi1>, vector<256x128xf32>
    %slice3A_546 = vector.extract_strided_slice %dot_general3A_11 {offsets = [0, 6144], sizes = [256, 128], strides = [1, 1]} : vector<256x8192xf32> to vector<256x128xf32>
    %sub3A_547 = vector.broadcast %broadcast_in_dim3A : vector<256x1xf32> to vector<256x128xf32>
    %sub3A_548 = arith.subf %sub3A_547, %slice3A_546 : vector<256x128xf32>
    %slice3A_549 = vector.extract_strided_slice %get3A_16 {offsets = [0, 6144], sizes = [1, 128], strides = [1, 1]} : vector<1x8192xf32> to vector<1x128xf32>
    %add3A_550 = vector.broadcast %slice3A_549 : vector<1x128xf32> to vector<256x128xf32>
    %add3A_551 = arith.addf %sub3A_548, %add3A_550 : vector<256x128xf32>
    %lt3A_552 = arith.cmpf olt, %add3A_551, %select_n3A_545 : vector<256x128xf32>
    %jit3A_553 = arith.constant 16 : i32
    %broadcast_in_dim3A_554 = vector.broadcast %jit3A_553 : i32 to vector<256x128xi32>
    %select_n3A_555 = arith.select %lt3A_552, %broadcast_in_dim3A_554, %select_n3A_544 : vector<256x128xi1>, vector<256x128xi32>
    %select_n3A_556 = arith.select %lt3A_552, %add3A_551, %select_n3A_545 : vector<256x128xi1>, vector<256x128xf32>
    %slice3A_557 = vector.extract_strided_slice %dot_general3A_11 {offsets = [0, 6272], sizes = [256, 128], strides = [1, 1]} : vector<256x8192xf32> to vector<256x128xf32>
    %sub3A_558 = vector.broadcast %broadcast_in_dim3A : vector<256x1xf32> to vector<256x128xf32>
    %sub3A_559 = arith.subf %sub3A_558, %slice3A_557 : vector<256x128xf32>
    %slice3A_560 = vector.extract_strided_slice %get3A_16 {offsets = [0, 6272], sizes = [1, 128], strides = [1, 1]} : vector<1x8192xf32> to vector<1x128xf32>
    %add3A_561 = vector.broadcast %slice3A_560 : vector<1x128xf32> to vector<256x128xf32>
    %add3A_562 = arith.addf %sub3A_559, %add3A_561 : vector<256x128xf32>
    %lt3A_563 = arith.cmpf olt, %add3A_562, %select_n3A_556 : vector<256x128xf32>
    %jit3A_564 = arith.constant 17 : i32
    %broadcast_in_dim3A_565 = vector.broadcast %jit3A_564 : i32 to vector<256x128xi32>
    %select_n3A_566 = arith.select %lt3A_563, %broadcast_in_dim3A_565, %select_n3A_555 : vector<256x128xi1>, vector<256x128xi32>
    %select_n3A_567 = arith.select %lt3A_563, %add3A_562, %select_n3A_556 : vector<256x128xi1>, vector<256x128xf32>
    %slice3A_568 = vector.extract_strided_slice %dot_general3A_11 {offsets = [0, 6400], sizes = [256, 128], strides = [1, 1]} : vector<256x8192xf32> to vector<256x128xf32>
    %sub3A_569 = vector.broadcast %broadcast_in_dim3A : vector<256x1xf32> to vector<256x128xf32>
    %sub3A_570 = arith.subf %sub3A_569, %slice3A_568 : vector<256x128xf32>
    %slice3A_571 = vector.extract_strided_slice %get3A_16 {offsets = [0, 6400], sizes = [1, 128], strides = [1, 1]} : vector<1x8192xf32> to vector<1x128xf32>
    %add3A_572 = vector.broadcast %slice3A_571 : vector<1x128xf32> to vector<256x128xf32>
    %add3A_573 = arith.addf %sub3A_570, %add3A_572 : vector<256x128xf32>
    %lt3A_574 = arith.cmpf olt, %add3A_573, %select_n3A_567 : vector<256x128xf32>
    %jit3A_575 = arith.constant 18 : i32
    %broadcast_in_dim3A_576 = vector.broadcast %jit3A_575 : i32 to vector<256x128xi32>
    %select_n3A_577 = arith.select %lt3A_574, %broadcast_in_dim3A_576, %select_n3A_566 : vector<256x128xi1>, vector<256x128xi32>
    %select_n3A_578 = arith.select %lt3A_574, %add3A_573, %select_n3A_567 : vector<256x128xi1>, vector<256x128xf32>
    %slice3A_579 = vector.extract_strided_slice %dot_general3A_11 {offsets = [0, 6528], sizes = [256, 128], strides = [1, 1]} : vector<256x8192xf32> to vector<256x128xf32>
    %sub3A_580 = vector.broadcast %broadcast_in_dim3A : vector<256x1xf32> to vector<256x128xf32>
    %sub3A_581 = arith.subf %sub3A_580, %slice3A_579 : vector<256x128xf32>
    %slice3A_582 = vector.extract_strided_slice %get3A_16 {offsets = [0, 6528], sizes = [1, 128], strides = [1, 1]} : vector<1x8192xf32> to vector<1x128xf32>
    %add3A_583 = vector.broadcast %slice3A_582 : vector<1x128xf32> to vector<256x128xf32>
    %add3A_584 = arith.addf %sub3A_581, %add3A_583 : vector<256x128xf32>
    %lt3A_585 = arith.cmpf olt, %add3A_584, %select_n3A_578 : vector<256x128xf32>
    %jit3A_586 = arith.constant 19 : i32
    %broadcast_in_dim3A_587 = vector.broadcast %jit3A_586 : i32 to vector<256x128xi32>
    %select_n3A_588 = arith.select %lt3A_585, %broadcast_in_dim3A_587, %select_n3A_577 : vector<256x128xi1>, vector<256x128xi32>
    %select_n3A_589 = arith.select %lt3A_585, %add3A_584, %select_n3A_578 : vector<256x128xi1>, vector<256x128xf32>
    %slice3A_590 = vector.extract_strided_slice %dot_general3A_11 {offsets = [0, 6656], sizes = [256, 128], strides = [1, 1]} : vector<256x8192xf32> to vector<256x128xf32>
    %sub3A_591 = vector.broadcast %broadcast_in_dim3A : vector<256x1xf32> to vector<256x128xf32>
    %sub3A_592 = arith.subf %sub3A_591, %slice3A_590 : vector<256x128xf32>
    %slice3A_593 = vector.extract_strided_slice %get3A_16 {offsets = [0, 6656], sizes = [1, 128], strides = [1, 1]} : vector<1x8192xf32> to vector<1x128xf32>
    %add3A_594 = vector.broadcast %slice3A_593 : vector<1x128xf32> to vector<256x128xf32>
    %add3A_595 = arith.addf %sub3A_592, %add3A_594 : vector<256x128xf32>
    %lt3A_596 = arith.cmpf olt, %add3A_595, %select_n3A_589 : vector<256x128xf32>
    %jit3A_597 = arith.constant 20 : i32
    %broadcast_in_dim3A_598 = vector.broadcast %jit3A_597 : i32 to vector<256x128xi32>
    %select_n3A_599 = arith.select %lt3A_596, %broadcast_in_dim3A_598, %select_n3A_588 : vector<256x128xi1>, vector<256x128xi32>
    %select_n3A_600 = arith.select %lt3A_596, %add3A_595, %select_n3A_589 : vector<256x128xi1>, vector<256x128xf32>
    %slice3A_601 = vector.extract_strided_slice %dot_general3A_11 {offsets = [0, 6784], sizes = [256, 128], strides = [1, 1]} : vector<256x8192xf32> to vector<256x128xf32>
    %sub3A_602 = vector.broadcast %broadcast_in_dim3A : vector<256x1xf32> to vector<256x128xf32>
    %sub3A_603 = arith.subf %sub3A_602, %slice3A_601 : vector<256x128xf32>
    %slice3A_604 = vector.extract_strided_slice %get3A_16 {offsets = [0, 6784], sizes = [1, 128], strides = [1, 1]} : vector<1x8192xf32> to vector<1x128xf32>
    %add3A_605 = vector.broadcast %slice3A_604 : vector<1x128xf32> to vector<256x128xf32>
    %add3A_606 = arith.addf %sub3A_603, %add3A_605 : vector<256x128xf32>
    %lt3A_607 = arith.cmpf olt, %add3A_606, %select_n3A_600 : vector<256x128xf32>
    %jit3A_608 = arith.constant 21 : i32
    %broadcast_in_dim3A_609 = vector.broadcast %jit3A_608 : i32 to vector<256x128xi32>
    %select_n3A_610 = arith.select %lt3A_607, %broadcast_in_dim3A_609, %select_n3A_599 : vector<256x128xi1>, vector<256x128xi32>
    %select_n3A_611 = arith.select %lt3A_607, %add3A_606, %select_n3A_600 : vector<256x128xi1>, vector<256x128xf32>
    %slice3A_612 = vector.extract_strided_slice %dot_general3A_11 {offsets = [0, 6912], sizes = [256, 128], strides = [1, 1]} : vector<256x8192xf32> to vector<256x128xf32>
    %sub3A_613 = vector.broadcast %broadcast_in_dim3A : vector<256x1xf32> to vector<256x128xf32>
    %sub3A_614 = arith.subf %sub3A_613, %slice3A_612 : vector<256x128xf32>
    %slice3A_615 = vector.extract_strided_slice %get3A_16 {offsets = [0, 6912], sizes = [1, 128], strides = [1, 1]} : vector<1x8192xf32> to vector<1x128xf32>
    %add3A_616 = vector.broadcast %slice3A_615 : vector<1x128xf32> to vector<256x128xf32>
    %add3A_617 = arith.addf %sub3A_614, %add3A_616 : vector<256x128xf32>
    %lt3A_618 = arith.cmpf olt, %add3A_617, %select_n3A_611 : vector<256x128xf32>
    %jit3A_619 = arith.constant 22 : i32
    %broadcast_in_dim3A_620 = vector.broadcast %jit3A_619 : i32 to vector<256x128xi32>
    %select_n3A_621 = arith.select %lt3A_618, %broadcast_in_dim3A_620, %select_n3A_610 : vector<256x128xi1>, vector<256x128xi32>
    %select_n3A_622 = arith.select %lt3A_618, %add3A_617, %select_n3A_611 : vector<256x128xi1>, vector<256x128xf32>
    %slice3A_623 = vector.extract_strided_slice %dot_general3A_11 {offsets = [0, 7040], sizes = [256, 128], strides = [1, 1]} : vector<256x8192xf32> to vector<256x128xf32>
    %sub3A_624 = vector.broadcast %broadcast_in_dim3A : vector<256x1xf32> to vector<256x128xf32>
    %sub3A_625 = arith.subf %sub3A_624, %slice3A_623 : vector<256x128xf32>
    %slice3A_626 = vector.extract_strided_slice %get3A_16 {offsets = [0, 7040], sizes = [1, 128], strides = [1, 1]} : vector<1x8192xf32> to vector<1x128xf32>
    %add3A_627 = vector.broadcast %slice3A_626 : vector<1x128xf32> to vector<256x128xf32>
    %add3A_628 = arith.addf %sub3A_625, %add3A_627 : vector<256x128xf32>
    %lt3A_629 = arith.cmpf olt, %add3A_628, %select_n3A_622 : vector<256x128xf32>
    %jit3A_630 = arith.constant 23 : i32
    %broadcast_in_dim3A_631 = vector.broadcast %jit3A_630 : i32 to vector<256x128xi32>
    %select_n3A_632 = arith.select %lt3A_629, %broadcast_in_dim3A_631, %select_n3A_621 : vector<256x128xi1>, vector<256x128xi32>
    %select_n3A_633 = arith.select %lt3A_629, %add3A_628, %select_n3A_622 : vector<256x128xi1>, vector<256x128xf32>
    %slice3A_634 = vector.extract_strided_slice %dot_general3A_11 {offsets = [0, 7168], sizes = [256, 128], strides = [1, 1]} : vector<256x8192xf32> to vector<256x128xf32>
    %sub3A_635 = vector.broadcast %broadcast_in_dim3A : vector<256x1xf32> to vector<256x128xf32>
    %sub3A_636 = arith.subf %sub3A_635, %slice3A_634 : vector<256x128xf32>
    %slice3A_637 = vector.extract_strided_slice %get3A_16 {offsets = [0, 7168], sizes = [1, 128], strides = [1, 1]} : vector<1x8192xf32> to vector<1x128xf32>
    %add3A_638 = vector.broadcast %slice3A_637 : vector<1x128xf32> to vector<256x128xf32>
    %add3A_639 = arith.addf %sub3A_636, %add3A_638 : vector<256x128xf32>
    %lt3A_640 = arith.cmpf olt, %add3A_639, %select_n3A_633 : vector<256x128xf32>
    %jit3A_641 = arith.constant 24 : i32
    %broadcast_in_dim3A_642 = vector.broadcast %jit3A_641 : i32 to vector<256x128xi32>
    %select_n3A_643 = arith.select %lt3A_640, %broadcast_in_dim3A_642, %select_n3A_632 : vector<256x128xi1>, vector<256x128xi32>
    %select_n3A_644 = arith.select %lt3A_640, %add3A_639, %select_n3A_633 : vector<256x128xi1>, vector<256x128xf32>
    %slice3A_645 = vector.extract_strided_slice %dot_general3A_11 {offsets = [0, 7296], sizes = [256, 128], strides = [1, 1]} : vector<256x8192xf32> to vector<256x128xf32>
    %sub3A_646 = vector.broadcast %broadcast_in_dim3A : vector<256x1xf32> to vector<256x128xf32>
    %sub3A_647 = arith.subf %sub3A_646, %slice3A_645 : vector<256x128xf32>
    %slice3A_648 = vector.extract_strided_slice %get3A_16 {offsets = [0, 7296], sizes = [1, 128], strides = [1, 1]} : vector<1x8192xf32> to vector<1x128xf32>
    %add3A_649 = vector.broadcast %slice3A_648 : vector<1x128xf32> to vector<256x128xf32>
    %add3A_650 = arith.addf %sub3A_647, %add3A_649 : vector<256x128xf32>
    %lt3A_651 = arith.cmpf olt, %add3A_650, %select_n3A_644 : vector<256x128xf32>
    %jit3A_652 = arith.constant 25 : i32
    %broadcast_in_dim3A_653 = vector.broadcast %jit3A_652 : i32 to vector<256x128xi32>
    %select_n3A_654 = arith.select %lt3A_651, %broadcast_in_dim3A_653, %select_n3A_643 : vector<256x128xi1>, vector<256x128xi32>
    %select_n3A_655 = arith.select %lt3A_651, %add3A_650, %select_n3A_644 : vector<256x128xi1>, vector<256x128xf32>
    %slice3A_656 = vector.extract_strided_slice %dot_general3A_11 {offsets = [0, 7424], sizes = [256, 128], strides = [1, 1]} : vector<256x8192xf32> to vector<256x128xf32>
    %sub3A_657 = vector.broadcast %broadcast_in_dim3A : vector<256x1xf32> to vector<256x128xf32>
    %sub3A_658 = arith.subf %sub3A_657, %slice3A_656 : vector<256x128xf32>
    %slice3A_659 = vector.extract_strided_slice %get3A_16 {offsets = [0, 7424], sizes = [1, 128], strides = [1, 1]} : vector<1x8192xf32> to vector<1x128xf32>
    %add3A_660 = vector.broadcast %slice3A_659 : vector<1x128xf32> to vector<256x128xf32>
    %add3A_661 = arith.addf %sub3A_658, %add3A_660 : vector<256x128xf32>
    %lt3A_662 = arith.cmpf olt, %add3A_661, %select_n3A_655 : vector<256x128xf32>
    %jit3A_663 = arith.constant 26 : i32
    %broadcast_in_dim3A_664 = vector.broadcast %jit3A_663 : i32 to vector<256x128xi32>
    %select_n3A_665 = arith.select %lt3A_662, %broadcast_in_dim3A_664, %select_n3A_654 : vector<256x128xi1>, vector<256x128xi32>
    %select_n3A_666 = arith.select %lt3A_662, %add3A_661, %select_n3A_655 : vector<256x128xi1>, vector<256x128xf32>
    %slice3A_667 = vector.extract_strided_slice %dot_general3A_11 {offsets = [0, 7552], sizes = [256, 128], strides = [1, 1]} : vector<256x8192xf32> to vector<256x128xf32>
    %sub3A_668 = vector.broadcast %broadcast_in_dim3A : vector<256x1xf32> to vector<256x128xf32>
    %sub3A_669 = arith.subf %sub3A_668, %slice3A_667 : vector<256x128xf32>
    %slice3A_670 = vector.extract_strided_slice %get3A_16 {offsets = [0, 7552], sizes = [1, 128], strides = [1, 1]} : vector<1x8192xf32> to vector<1x128xf32>
    %add3A_671 = vector.broadcast %slice3A_670 : vector<1x128xf32> to vector<256x128xf32>
    %add3A_672 = arith.addf %sub3A_669, %add3A_671 : vector<256x128xf32>
    %lt3A_673 = arith.cmpf olt, %add3A_672, %select_n3A_666 : vector<256x128xf32>
    %jit3A_674 = arith.constant 27 : i32
    %broadcast_in_dim3A_675 = vector.broadcast %jit3A_674 : i32 to vector<256x128xi32>
    %select_n3A_676 = arith.select %lt3A_673, %broadcast_in_dim3A_675, %select_n3A_665 : vector<256x128xi1>, vector<256x128xi32>
    %select_n3A_677 = arith.select %lt3A_673, %add3A_672, %select_n3A_666 : vector<256x128xi1>, vector<256x128xf32>
    %slice3A_678 = vector.extract_strided_slice %dot_general3A_11 {offsets = [0, 7680], sizes = [256, 128], strides = [1, 1]} : vector<256x8192xf32> to vector<256x128xf32>
    %sub3A_679 = vector.broadcast %broadcast_in_dim3A : vector<256x1xf32> to vector<256x128xf32>
    %sub3A_680 = arith.subf %sub3A_679, %slice3A_678 : vector<256x128xf32>
    %slice3A_681 = vector.extract_strided_slice %get3A_16 {offsets = [0, 7680], sizes = [1, 128], strides = [1, 1]} : vector<1x8192xf32> to vector<1x128xf32>
    %add3A_682 = vector.broadcast %slice3A_681 : vector<1x128xf32> to vector<256x128xf32>
    %add3A_683 = arith.addf %sub3A_680, %add3A_682 : vector<256x128xf32>
    %lt3A_684 = arith.cmpf olt, %add3A_683, %select_n3A_677 : vector<256x128xf32>
    %jit3A_685 = arith.constant 28 : i32
    %broadcast_in_dim3A_686 = vector.broadcast %jit3A_685 : i32 to vector<256x128xi32>
    %select_n3A_687 = arith.select %lt3A_684, %broadcast_in_dim3A_686, %select_n3A_676 : vector<256x128xi1>, vector<256x128xi32>
    %select_n3A_688 = arith.select %lt3A_684, %add3A_683, %select_n3A_677 : vector<256x128xi1>, vector<256x128xf32>
    %slice3A_689 = vector.extract_strided_slice %dot_general3A_11 {offsets = [0, 7808], sizes = [256, 128], strides = [1, 1]} : vector<256x8192xf32> to vector<256x128xf32>
    %sub3A_690 = vector.broadcast %broadcast_in_dim3A : vector<256x1xf32> to vector<256x128xf32>
    %sub3A_691 = arith.subf %sub3A_690, %slice3A_689 : vector<256x128xf32>
    %slice3A_692 = vector.extract_strided_slice %get3A_16 {offsets = [0, 7808], sizes = [1, 128], strides = [1, 1]} : vector<1x8192xf32> to vector<1x128xf32>
    %add3A_693 = vector.broadcast %slice3A_692 : vector<1x128xf32> to vector<256x128xf32>
    %add3A_694 = arith.addf %sub3A_691, %add3A_693 : vector<256x128xf32>
    %lt3A_695 = arith.cmpf olt, %add3A_694, %select_n3A_688 : vector<256x128xf32>
    %jit3A_696 = arith.constant 29 : i32
    %broadcast_in_dim3A_697 = vector.broadcast %jit3A_696 : i32 to vector<256x128xi32>
    %select_n3A_698 = arith.select %lt3A_695, %broadcast_in_dim3A_697, %select_n3A_687 : vector<256x128xi1>, vector<256x128xi32>
    %select_n3A_699 = arith.select %lt3A_695, %add3A_694, %select_n3A_688 : vector<256x128xi1>, vector<256x128xf32>
    %slice3A_700 = vector.extract_strided_slice %dot_general3A_11 {offsets = [0, 7936], sizes = [256, 128], strides = [1, 1]} : vector<256x8192xf32> to vector<256x128xf32>
    %sub3A_701 = vector.broadcast %broadcast_in_dim3A : vector<256x1xf32> to vector<256x128xf32>
    %sub3A_702 = arith.subf %sub3A_701, %slice3A_700 : vector<256x128xf32>
    %slice3A_703 = vector.extract_strided_slice %get3A_16 {offsets = [0, 7936], sizes = [1, 128], strides = [1, 1]} : vector<1x8192xf32> to vector<1x128xf32>
    %add3A_704 = vector.broadcast %slice3A_703 : vector<1x128xf32> to vector<256x128xf32>
    %add3A_705 = arith.addf %sub3A_702, %add3A_704 : vector<256x128xf32>
    %lt3A_706 = arith.cmpf olt, %add3A_705, %select_n3A_699 : vector<256x128xf32>
    %jit3A_707 = arith.constant 30 : i32
    %broadcast_in_dim3A_708 = vector.broadcast %jit3A_707 : i32 to vector<256x128xi32>
    %select_n3A_709 = arith.select %lt3A_706, %broadcast_in_dim3A_708, %select_n3A_698 : vector<256x128xi1>, vector<256x128xi32>
    %select_n3A_710 = arith.select %lt3A_706, %add3A_705, %select_n3A_699 : vector<256x128xi1>, vector<256x128xf32>
    %slice3A_711 = vector.extract_strided_slice %dot_general3A_11 {offsets = [0, 8064], sizes = [256, 128], strides = [1, 1]} : vector<256x8192xf32> to vector<256x128xf32>
    %sub3A_712 = vector.broadcast %broadcast_in_dim3A : vector<256x1xf32> to vector<256x128xf32>
    %sub3A_713 = arith.subf %sub3A_712, %slice3A_711 : vector<256x128xf32>
    %slice3A_714 = vector.extract_strided_slice %get3A_16 {offsets = [0, 8064], sizes = [1, 128], strides = [1, 1]} : vector<1x8192xf32> to vector<1x128xf32>
    %add3A_715 = vector.broadcast %slice3A_714 : vector<1x128xf32> to vector<256x128xf32>
    %add3A_716 = arith.addf %sub3A_713, %add3A_715 : vector<256x128xf32>
    %lt3A_717 = arith.cmpf olt, %add3A_716, %select_n3A_710 : vector<256x128xf32>
    %jit3A_718 = arith.constant 31 : i32
    %broadcast_in_dim3A_719 = vector.broadcast %jit3A_718 : i32 to vector<256x128xi32>
    %select_n3A_720 = arith.select %lt3A_717, %broadcast_in_dim3A_719, %select_n3A_709 : vector<256x128xi1>, vector<256x128xi32>
    %select_n3A_721 = arith.select %lt3A_717, %add3A_716, %select_n3A_710 : vector<256x128xi1>, vector<256x128xf32>
    %reduce_min3A_722 = arith.constant dense<0x7F800000> : vector<256xf32>
    %reduce_min3A_723 = vector.multi_reduction <minimumf>, %select_n3A_721, %reduce_min3A_722 [1] : vector<256x128xf32> to vector<256xf32>
    %broadcast_in_dim3A_724 = vector.shape_cast %reduce_min3A_723 : vector<256xf32> to vector<256x1xf32>
    %mul3A_725 = arith.constant 128 : i32
    %mul3A_726 = vector.broadcast %mul3A_725 : i32 to vector<256x128xi32>
    %mul3A_727 = arith.muli %select_n3A_720, %mul3A_726 : vector<256x128xi32>
    %add3A_728 = arith.addi %mul3A_727, %iota3A : vector<256x128xi32>
    %eq3A_729 = vector.broadcast %broadcast_in_dim3A_724 : vector<256x1xf32> to vector<256x128xf32>
    %eq3A_730 = arith.cmpf oeq, %select_n3A_721, %eq3A_729 : vector<256x128xf32>
    %jit3A_731 = arith.constant 8192 : i32
    %broadcast_in_dim3A_732 = vector.broadcast %jit3A_731 : i32 to vector<256x128xi32>
    %select_n3A_733 = arith.select %eq3A_730, %add3A_728, %broadcast_in_dim3A_732 : vector<256x128xi1>, vector<256x128xi32>
    %reduce_min3A_734 = arith.constant dense<2147483647> : vector<256xi32>
    %reduce_min3A_735 = vector.multi_reduction <minsi>, %select_n3A_733, %reduce_min3A_734 [1] : vector<256x128xi32> to vector<256xi32>
    %squeeze3A_736 = vector.shape_cast %broadcast_in_dim3A_724 : vector<256x1xf32> to vector<256xf32>
    %add3A_737 = arith.constant 4096 : i32
    %add3A_738 = vector.broadcast %add3A_737 : i32 to vector<256xi32>
    %add3A_739 = arith.addi %reduce_min3A_735, %add3A_738 : vector<256xi32>
    %convert_element_type3A_740 = arith.truncf %squeeze3A : vector<256xf32> to vector<256xbf16>
    %convert_element_type3A_741 = arith.extf %convert_element_type3A_740 : vector<256xbf16> to vector<256xf32>
    %lt3A_742 = arith.cmpf olt, %squeeze3A_736, %convert_element_type3A_741 : vector<256xf32>
    %select_n3A_743 = arith.select %lt3A_742, %add3A_739, %reduce_min3A_372 : vector<256xi1>, vector<256xi32>
    %swap3A = arith.constant 0 : index
    %swap3A_744 = vector.load %arg3[%swap3A] : memref<256xi32, #tpu.memory_space<vmem>>, vector<256xi32>
    tpu.vector_store %arg3[%swap3A], %select_n3A_743 {strides = array<i32>} : memref<256xi32, #tpu.memory_space<vmem>>, vector<256xi32>,
    %get3A_745 = arith.constant 0 : index
    %get3A_746 = arith.constant 0 : index
    %get3A_747 = memref.load %arg4[%get3A_745, %get3A_746] : memref<1x1xf32, #tpu.memory_space<smem>>
    %select_n3A_748 = arith.select %lt3A_742, %squeeze3A_736, %squeeze3A : vector<256xi1>, vector<256xf32>
    %reduce_sum3A_749 = vector.shape_cast %select_n3A_748 : vector<256xf32> to vector<1x256xf32>
    %reduce_sum3A_750 = arith.constant dense<0.000000e+00> : vector<1xf32>
    %reduce_sum3A_751 = vector.multi_reduction <add>, %reduce_sum3A_749, %reduce_sum3A_750 [1] : vector<1x256xf32> to vector<1xf32>
    %reduce_sum3A_752 = vector.shape_cast %reduce_sum3A_751 : vector<1xf32> to vector<1x1xf32>
    %reduce_sum3A_753 = vector.extract %reduce_sum3A_752[0, 0] : f32 from vector<1x1xf32>
    %add3A_754 = arith.addf %get3A_747, %reduce_sum3A_753 : f32
    %swap3A_755 = arith.constant 0 : index
    %swap3A_756 = arith.constant 0 : index
    %swap3A_757 = memref.load %arg4[%swap3A_755, %swap3A_756] : memref<1x1xf32, #tpu.memory_space<smem>>
    memref.store %add3A_754, %arg4[%swap3A_755, %swap3A_756] : memref<1x1xf32, #tpu.memory_space<smem>>
    %eq3A_758 = arith.constant 63 : i32
    %eq3A_759 = arith.cmpi eq, %arg0, %eq3A_758 : i32
    %convert_element_type3A_760 = arith.extui %eq3A_759 : i1 to i32
    %cond3A_761 = arith.constant 0 : i32
    %cond3A_762 = arith.cmpi ne, %convert_element_type3A_760, %cond3A_761 : i32
    scf.if %cond3A_762 {
      %get3A_763 = arith.constant 0 : index
      %get3A_764 = arith.constant 0 : index
      %get3A_765 = memref.load %arg4[%get3A_763, %get3A_764] : memref<1x1xf32, #tpu.memory_space<smem>>
      %mul3A_766 = arith.constant 1.90734863E-6 : f32
      %mul3A_767 = arith.mulf %get3A_765, %mul3A_766 : f32
      %swap3A_768 = arith.constant 0 : index
      %swap3A_769 = arith.constant 0 : index
      %swap3A_770 = memref.load %arg4[%swap3A_768, %swap3A_769] : memref<1x1xf32, #tpu.memory_space<smem>>
      memref.store %mul3A_767, %arg4[%swap3A_768, %swap3A_769] : memref<1x1xf32, #tpu.memory_space<smem>>
    } else {
    }
    return
  }
  func.func @transform_0(%arg0: i32) -> (i32, i32) {
    %c0_i32 = arith.constant 0 : i32
    %c0_i32_0 = arith.constant 0 : i32
    return %arg0, %c0_i32 : i32, i32
  }
  func.func @transform_1(%arg0: i32) -> (i32, i32) {
    %c0_i32 = arith.constant 0 : i32
    %c0_i32_0 = arith.constant 0 : i32
    %c0_i32_1 = arith.constant 0 : i32
    return %c0_i32, %c0_i32_0 : i32, i32
  }
  func.func @transform_2(%arg0: i32) -> i32 {
    %c0_i32 = arith.constant 0 : i32
    return %arg0 : i32
  }
  func.func @transform_3(%arg0: i32) -> (i32, i32) {
    %c0_i32 = arith.constant 0 : i32
    %c0_i32_0 = arith.constant 0 : i32
    %c0_i32_1 = arith.constant 0 : i32
    return %c0_i32, %c0_i32_0 : i32, i32
  }
  func.func @transform_4(%arg0: i32) -> (i32, i32) {
    %c0_i32 = arith.constant 0 : i32
    %c0_i32_0 = arith.constant 0 : i32
    %c0_i32_1 = arith.constant 0 : i32
    return %c0_i32, %c0_i32_0 : i32, i32
  }
}

</mosaic_0001>

<sc_bundles>
// kernel: kernel.4.cloned.1.call-start
scs
__scs_entry_jumppad:
0x0: {  	(pc) =	sbr.rel $0x88, $3  }
0x1: {  	(tag) =	ssettag $0x0;
	lr =	simm.s32 $0x1  }
0x2: {  	[smem:$0x3F9F] =	sst lr;
	_ =	strace $0xD0000000  }
0x3: {  	_ = 	snop  }
0x4: {  	_ = 	snop  }
0x5: {  	_ = 	snop  }
0x6: {  	_ = 	snop  }
0x7: {  	_ = 	snop  }
__scs_overlays_trampoline_lowered:
0x8: {  	[smem:$0x3FAE] =	sst s0  }
0x9: {  	[smem:$0x3FAF] =	sst s1  }
0xa: {  	[smem:$0x3FB0] =	sst s2  }
0xb: {  	[smem:$0x3FB1] =	sst s3  }
0xc: {  	[smem:$0x3FB2] =	sst s4  }
0xd: {  	[smem:$0x3FB3] =	sst s5  }
0xe: {  	[smem:$0x3FB4] =	sst s6  }
0xf: {  	[smem:$0x3FB5] =	sst s7  }
0x10: {  	[smem:$0x3FB6] =	sst s8  }
0x11: {  	[smem:$0x3FB7] =	sst s9;
	s0 =	simm.s32 @!p0 $0x0  }
0x12: {  	s1 =	sld [smem:$0x3F9D];
	s0 =	simm.s32 @p0 $0x1  }
0x13: {  	[smem:$0x3FB8] =	sst s0;
	s0 =	simm.s32 @!p1 $0x0  }
0x14: {  	s2 =	sld [smem:$0x3F9C];
	s0 =	simm.s32 @p1 $0x1  }
0x15: {  	[smem:$0x3FB9] =	sst s0;
	s0 =	simm.s32 @!p2 $0x0  }
0x16: {  	s3 =	sld [smem:$0x3FDB];
	s0 =	simm.s32 @p2 $0x1  }
0x17: {  	s4 =	simm.s32 $0x1BF5;
	[smem:$0x3FBB] =	sst s0  }
0x18: {  	s0 =	sld [smem:$0x3F9E];
	_ =	swait.ge [sflag:s4], $0x0  }
0x19: {  	s7 =	sld [smem:$0x3F9F]  }
0x1a: {  	s8 =	sadd.s32 $0xFFFFE003, lr  }
0x1b: {  	s9 =	sadd.s32 $0xFFFFFEF7, lr;
	s5 =	simm.s32 $0xFFFFFFFF;
	p2 =	slt.u32 s8, $0xFFFFF086  }
0x1c: {  	p1 =	slt.u32 s9, $0xF7A;
	s5 =	simm.s32 @!p2 $0x0  }
0x1d: {  	s5 =	simm.s32 @p1 $0x1;
	p0 =	seq.s32 s7, s2  }
0x1e: {  	s7 =	smul.u32 @!p0 $0xF7A, s2;
	p2 =	seq.s32 @!p0 s5, $0x0  }
0x1f: {  	s9 =	smul.u32 $0xF7A, s1;
	s8 =	simm.s32 @!p0 $0x1BF5;
	p2 =	por !p2, p0  }
0x20: {  	[sflag:s8] =	ssyncset.s32 @!p0 $0xFFFFF086;
	s6 =	sadd.s32 @!p0 s3, s7;
	s7 =	simm.s32 @!p0 $0x108  }
0x21: {  	s3 =	sadd.s32 s3, s9;
	s6 =	sadd.s32 @!p0 $0x88, s6;
	s7 =	simm.s32 @p2 $0x1082  }
0x22: {  	[simem:s7], [sflag:s8] =	dma.local @!p0 [hbm:s6], $0xF7A  }
0x23: {  	s9 =	sor.u32 $0xD0000000, s2;
	s6 =	simm.s32 $0x108;
	_ =	swait.ge @!p0 [sflag:s8], $0x0  }
0x24: {  	s3 =	sadd.s32 $0x88, s3;
	s6 =	simm.s32 @!p1 $0x1082;
	[sflag:s4] =	ssyncset.s32 $0xFFFFF086  }
0x25: {  	[simem:s6], [sflag:s4] =	dma.local [hbm:s3], $0xF7A  }
0x26: {  	[smem:$0x3F9F] =	sst s1;
	(tag) =	ssettag s2;
	_ =	strace s9  }
0x27: {  	s1 =	sld [smem:$0x3FAF]  }
0x28: {  	s2 =	sld [smem:$0x3FB0]  }
0x29: {  	s4 =	sld [smem:$0x3FB2]  }
0x2a: {  	p0 =	seq.s32 s5, $0x0;
	s5 =	sld [smem:$0x3FB3]  }
0x2b: {  	s6 =	sld [smem:$0x3FB4]  }
0x2c: {  	s7 =	sld [smem:$0x3FB5]  }
0x2d: {  	s3 =	simm.s32 $0x108;
	s8 =	sld [smem:$0x3FB6]  }
0x2e: {  	s3 =	simm.s32 @!p0 $0x1082;
	s9 =	sld [smem:$0x3FB7]  }
0x2f: {  	lr =	sadd.s32 s0, s3;
	s0 =	sld [smem:$0x3FAE]  }
0x30: {  	s3 =	sld [smem:$0x3FB1]  }
0x31: {  	[smem:$0x3FBA] =	sst s10  }
0x32: {  	s10 =	sld [smem:$0x3FB8];
	_ =	sdelay $0x3  }
0x33: {  	p0 =	seq.s32 s10, $0x1;
	s10 =	sld [smem:$0x3FBA];
	_ =	sdelay $0x3  }
0x34: {  	[smem:$0x3FBA] =	sst s10  }
0x35: {  	s10 =	sld [smem:$0x3FB9];
	_ =	sdelay $0x3  }
0x36: {  	p1 =	seq.s32 s10, $0x1;
	s10 =	sld [smem:$0x3FBA];
	_ =	sdelay $0x3  }
0x37: {  	[smem:$0x3FBA] =	sst s10  }
0x38: {  	s10 =	sld [smem:$0x3FBB]  }
0x39: {  	_ = 	snop;
	(pc) =	sbr.ind lr, $3  }
0x3a: {  	_ = 	snop  }
0x3b: {  	_ = 	snop  }
0x3c: {  	p2 =	seq.s32 s10, $0x1;
	s10 =	sld [smem:$0x3FBA]  }
0x3d: {  	_ =	shalt  }
0x3e: {  	_ =	shalt  }
0x3f: {  	_ =	shalt  }
0x40: {  	_ =	shalt  }
0x41: {  	_ =	shalt  }
0x42: {  	_ =	shalt  }
0x43: {  	_ =	shalt  }
0x44: {  	_ =	shalt  }
0x45: {  	_ =	shalt  }
0x46: {  	_ =	shalt  }
0x47: {  	_ =	shalt  }
0x48: {  	_ =	shalt  }
0x49: {  	_ =	shalt  }
0x4a: {  	_ =	shalt  }
0x4b: {  	_ =	shalt  }
0x4c: {  	_ =	shalt  }
0x4d: {  	_ =	shalt  }
0x4e: {  	_ =	shalt  }
0x4f: {  	_ =	shalt  }
0x50: {  	_ =	shalt  }
0x51: {  	_ =	shalt  }
0x52: {  	_ =	shalt  }
0x53: {  	_ =	shalt  }
0x54: {  	_ =	shalt  }
0x55: {  	_ =	shalt  }
0x56: {  	_ =	shalt  }
0x57: {  	_ =	shalt  }
0x58: {  	_ =	shalt  }
0x59: {  	_ =	shalt  }
0x5a: {  	_ =	shalt  }
0x5b: {  	_ =	shalt  }
0x5c: {  	_ =	shalt  }
0x5d: {  	_ =	shalt  }
0x5e: {  	_ =	shalt  }
0x5f: {  	_ =	shalt  }
0x60: {  	_ =	shalt  }
0x61: {  	_ =	shalt  }
0x62: {  	_ =	shalt  }
0x63: {  	_ =	shalt  }
0x64: {  	_ =	shalt  }
0x65: {  	_ =	shalt  }
0x66: {  	_ =	shalt  }
0x67: {  	_ =	shalt  }
0x68: {  	_ =	shalt  }
0x69: {  	_ =	shalt  }
0x6a: {  	_ =	shalt  }
0x6b: {  	_ =	shalt  }
0x6c: {  	_ =	shalt  }
0x6d: {  	_ =	shalt  }
0x6e: {  	_ =	shalt  }
0x6f: {  	_ =	shalt  }
0x70: {  	_ =	shalt  }
0x71: {  	_ =	shalt  }
0x72: {  	_ =	shalt  }
0x73: {  	_ =	shalt  }
0x74: {  	_ =	shalt  }
0x75: {  	_ =	shalt  }
0x76: {  	_ =	shalt  }
0x77: {  	_ =	shalt  }
0x78: {  	_ =	shalt  }
0x79: {  	_ =	shalt  }
0x7a: {  	_ =	shalt  }
0x7b: {  	_ =	shalt  }
0x7c: {  	_ =	shalt  }
0x7d: {  	_ =	shalt  }
0x7e: {  	_ =	shalt  }
0x7f: {  	_ =	shalt  }
0x80: {  	_ =	shalt  }
0x81: {  	_ =	shalt  }
0x82: {  	_ =	shalt  }
0x83: {  	_ =	shalt  }
0x84: {  	_ =	shalt  }
0x85: {  	_ =	shalt  }
0x86: {  	_ =	shalt  }
0x87: {  	_ =	shalt  }
.Lfunc_end0:
.L_simem_size_0:
called_computation_lowered:
.L_overlay_start_0:
0x88: {  	s2 =	sld [smem:$0x3FD9]  }
0x89: {  	s3 =	sld [smem:$0x3FFE];
	_ =	sdelay $0x1  }
0x8a: {  	s1 =	srdreg.scid  }
0x8b: {  	s0 =	sand.u32 $0x1, s1  }
0x8c: {  	s14 =	sshll.u32 s0, $0xA;
	s2 =	sadd.s32 s3, s2  }
0x8d: {  	s2 =	sadd.s32 s2, s14  }
0x8e: {  	[smem:$0x3FC6] =	sst s2  }
0x8f: {  	_ = 	snop  }
0x90: {  	s2 =	sld [smem:$0x3FD0];
	_ =	sdelay $0x2  }
0x91: {  	s15 =	simm.s32 $0xA;
	s4 =	simm.s32 $0x10  }
0x92: {  	[smem:s4], [sflag:s15] =	dma.local [hbm:s2], $0x1  }
0x93: {  	_ =	swait.eq [sflag:s15], $0x1  }
0x94: {  	[sflag:s15] =	ssyncset.done $0x0  }
0x95: {  	[sflag:s15] =	ssyncadd.s32 $0xFFFFFFFF  }
0x96: {  	s16 =	sld [smem:$0x10];
	(tm) =	ssettm $0x1  }
0x97: {  	s17 =	sld [smem:$0x3FFB];
	_ =	sdelay $0x3  }
0x98: {  	_ =	strace s17  }
0x99: {  	s3 =	sld [smem:$0x3FFC];
	_ =	sdelay $0x3  }
0x9a: {  	_ =	strace s3  }
0x9b: {  	s3 =	sld [smem:$0x3FFD];
	_ =	sdelay $0x3  }
0x9c: {  	_ =	strace s3  }
0x9d: {  	_ =	strace $0x8FFFFFFF  }
0x9e: {  	s18 =	sld [smem:$0x3FDB];
	_ =	sdelay $0x1  }
0x9f: {  	s19 =	simm.s32 $_scs_section_size  }
0xa0: {  	s5 =	simm.s32 $_size__tile_overlayer_lowered;
	s6 =	simm.s32 $_tile_overlayer_lowered  }
0xa1: {  	s22 =	simm.s32 $0x1BFF;
	s21 =	sshll.u32 s6, $0x1;
	s3 =	sadd.s32 s19, s18  }
0xa2: {  	s7 =	simm.s32 $0x0;
	s20 =	sshll.u32 s5, $0x1;
	s5 =	sadd.s32 s21, s3  }
0xa3: {  	[timem:s7], [sflag:s22] =	dma.local [hbm:s5], s20  }
0xa4: {  	_ =	swait.ge [sflag:s22], s20  }
0xa5: {  	s4 =	ssub.s32 $0x0, s20;
	[sflag:s22] =	ssyncset.done $0x0  }
0xa6: {  	[sflag:s22] =	ssyncadd.s32 s4;
	_ =	sdelay $0x1  }
0xa7: {  	s23 =	simm.s32 $0x1B8B  }
0xa8: {  	_ =	swait.ge [sflag:s23], $0x1  }
0xa9: {  	[sflag:s23] =	ssyncset.done $0x0  }
0xaa: {  	s25 =	simm.s32 $0x1B8E;
	s24 =	sld [smem:$0x3FFE];
	[sflag:s23] =	ssyncadd.s32 $0xFFFFFFFF  }
0xab: {  	s26 =	simm.s32 $execute0_lowered;
	[smem:$0x3FD2] =	sst s25  }
0xac: {  	s5 =	sshll.u32 s26, $0x1;
	_ =	strace $0x80000046;
	[dreg:$0x1] =	wrdreg $0xFFFFFFFF  }
0xad: {  	s28 =	simm.s32 $_size_execute0_lowered;
	s3 =	sadd.s32 s3, s5;
	[dreg:$0x0] =	wrdreg $0x0  }
0xae: {  	s5 =	sshll.u32 s28, $0x1;
	[dreg:$0x2] =	wrdreg s3  }
0xaf: {  	[dreg:$0x3] =	wrdreg s5  }
0xb0: {  	[dreg:$0x4] =	wrdreg $0xC0  }
0xb1: {  	_ =	task [dreg:s7], $0x5FFFF  }
0xb2: {  	[dreg:$0x1] =	wrdreg $0xFFFFFFFF  }
0xb3: {  	[dreg:$0x0] =	wrdreg $0x60  }
0xb4: {  	[dreg:$0x2] =	wrdreg s24  }
0xb5: {  	[dreg:$0x3] =	wrdreg s16  }
0xb6: {  	[dreg:$0x4] =	wrdreg $0x9  }
0xb7: {  	_ =	task.clear_ibuf [dreg:s7], $0x5FFFF;
	_ =	strace $0x90000046  }
0xb8: {  	s29 =	simm.s32 $0x9;
	_ =	strace $0x80000048  }
0xb9: {  	_ =	swait.ge [sflag:s29], $0x1  }
0xba: {  	[sflag:s29] =	ssyncadd.s32 $0xFFFFFFFF  }
0xbb: {  	_ =	strace $0x90000048  }
0xbc: {  	_ =	sfence  }
0xbd: {  	s30 =	sld [smem:$0x0];
	_ =	sdelay $0x2  }
0xbe: {  	s31 =	sshll.u32 s1, $0xD;
	s1 =	sshrl.u32 s1, $0x2  }
0xbf: {  	s3 =	sand.u32 $0x4000, s31;
	s1 =	sadd.s32 s1, s30  }
0xc0: {  	s0 =	sor.u32 s3, s0;
	s1 =	sshll.u32 s1, $0x11  }
0xc1: {  	s0 =	sor.u32 s1, s0  }
0xc2: {  	s0 =	sadd.s32 $0x8F2B, s0  }
0xc3: {  	[sflag:s0] =	ssyncadd.remote.s32 $0x1  }
0xc4: {  	_ =	sfence.sel $0xFFFF  }
0xc5: {  	[dreg:$0x0] =	wrdreg $0xFFFFFFFF;
	(pc) =	sbr.abs _section_cstart, $3  }
0xc6: {  	[dreg:$0x1] =	wrdreg $0xFFFFFFFF  }
0xc7: {  	_ =	task.clear_ibuf [dreg:s7], $0x2FFFF;
	_ =	strace $0x9FFFFFFF  }
0xc8: {  	(tm) =	ssettm $0x7FFFFFFF  }
0xc9: {  	_ =	shalt  }
tec
execute0_lowered:
.L_overlay_start_1:
0x0: {  	(tag) =	ssettag $0x1  }
0x1: {  	s1 =	srdreg.scid  }
0x2: {  	s0 =	stileid.u32;
	s6 =	sand.u32 $0x1, s1  }
0x3: {  	s5 =	rddreg [dreg:$0x0];
	s30 =	sshll.u32 s0, $0xA;
	s2 =	sshll.u32 s6, $0x9  }
0x4: {  	s8 =	rddreg [dreg:$0x1];
	s9 =	sor.u32 s2, s30  }
0x5: {  	s1 =	rddreg [dreg:$0x2];
	s2 =	simm.s32 $0x0;
	s3 =	sshrl.u32 s9, $0x3  }
0x6: {  	s10 =	ssub.s32 $0x2, s6;
	[smem:$0x7FF] =	sst s2;
	s3 =	sadd.s32 s3, s5  }
0x7: {  	_ =	strace $0x80000047;
	s4 =	sadd.s32 $0xC00, s3;
	s3 =	simm.s32 $0x2  }
0x8: {  	[tilespmem:s2], [sflag:$0x2] =	stream.linear.gather [hbm4b:s4+s2], $0x200, $0x38;
	[tilespmem:$0x4200] =	vst v63  }
0x9: {  	s7 =	simm.s32 $0x1;
	s11 =	sshrl.u32 s10, $0x1;
	_ =	swait.ge [sflag:s3], $0x200  }
0xa: {  	s6 =	simm.s32 $0x200;
	s10 =	ssub.s32 s10, s11;
	[sflag:s3] =	ssyncset.done $0x0  }
0xb: {  	s5 =	sadd.s32 $0x1400, s5;
	s31 =	smax.u32 s10, $0x1;
	[sflag:s3] =	ssyncadd.s32 $0xFFFFFE00  }
0xc: {  	[tilespmem:s6], [sflag:$0x1] =	stream.indirect.gather [hbm4b:s5+s6], $0x20, s2, s6, $0xb8;
	[tilespmem:$0x4200] =	vst v63  }
0xd: {  	p0 =	sne.s32 s31, $0x1;
	_ =	swait.ge [sflag:s7], $0x4000  }
.Ltmp0:
0xe: {  	s9 =	sshll.u32 s9, $0x2;
	[sflag:s7] =	ssyncset.done $0x0;
	(pc) =	sbr.rel @!p0 .LBB2_2-.Ltmp0, $4  }
0xf: {  	s8 =	sadd.s32 s8, s9;
	[sflag:s7] =	ssyncadd.s32 $0xFFFFC000  }
0x10: {  	[hbm4b:s8+s2] =	stream.linear.scatter [tilespmem:s6], [sflag:$0x2], $0x4000, $0x38;
	[tilespmem:$0x4200] =	vst v63  }
0x11: {  	_ =	swait.ge [sflag:s3], $0x4000  }
0x12: {  	s9 =	sadd.s32 $0xFFFFFFFF, s31;
	[sflag:s3] =	ssyncset.done $0x0  }
.LBB2_1:
0x13: {  	p0 =	sne.s32 s9, $0x1;
	s9 =	sadd.s32 $0xFFFFFFFF, s9;
	[sflag:s3] =	ssyncadd.s32 $0xFFFFC000  }
0x14: {  	[tilespmem:s2], [sflag:$0x2] =	stream.linear.gather [hbm4b:s4+s2], $0x200, $0x38;
	[tilespmem:$0x4200] =	vst v63  }
0x15: {  	_ =	swait.ge [sflag:s3], $0x200  }
0x16: {  	[sflag:s3] =	ssyncset.done $0x0  }
0x17: {  	[sflag:s3] =	ssyncadd.s32 $0xFFFFFE00  }
0x18: {  	[tilespmem:s6], [sflag:$0x1] =	stream.indirect.gather [hbm4b:s5+s6], $0x20, s2, s6, $0xb8;
	[tilespmem:$0x4200] =	vst v63  }
0x19: {  	_ =	swait.ge [sflag:s7], $0x4000  }
.Ltmp1:
0x1a: {  	[sflag:s7] =	ssyncset.done $0x0;
	(pc) =	sbr.rel @p0 .LBB2_1-.Ltmp1, $4  }
0x1b: {  	[sflag:s7] =	ssyncadd.s32 $0xFFFFC000  }
0x1c: {  	[hbm4b:s8+s2] =	stream.linear.scatter [tilespmem:s6], [sflag:$0x2], $0x4000, $0x38;
	[tilespmem:$0x4200] =	vst v63  }
0x1d: {  	_ =	swait.ge [sflag:s3], $0x4000  }
0x1e: {  	[sflag:s3] =	ssyncset.done $0x0  }
.LBB2_2:
0x1f: {  	[sflag:s3] =	ssyncadd.s32 $0xFFFFC000  }
0x20: {  	_ =	sfence.sel $0x180000  }
0x21: {  	[bflag:$0x0] =	sbarrier.arrive $0xFFFF  }
0x22: {  	p0 =	sne.s32 s0, $0x0;
	_ =	strace $0x90000047  }
0x23: {  	s0 =	sadd.s32 @!p0 $0x100000, s1;
	[bflag:$0x2] =	sbarrier.arrive $0xFFFF  }
0x24: {  	[sflag:s0] =	ssyncadd.tile.s32 @!p0 $0x1;
	_ =	shalt  }
.Lfunc_end2:
_tile_overlayer_lowered:
.L_overlay_start_2:
0x25: {  	(tag) =	ssettag $0x2  }
0x26: {  	s0 =	rddreg [dreg:$0x0];
	s2 =	stileid.u32  }
0x27: {  	s1 =	rddreg [dreg:$0x1];
	p0 =	sne.s32 s2, $0x0  }
0x28: {  	s3 =	rddreg [dreg:$0x2];
	[bflag:$0x3] =	sbarrier.arrive $0xFFFF;
	s2 =	simm.s32 @!p0 $0x1C02  }
0x29: {  	[timem:s3], [sflag:s2] =	dma.local @!p0 [hbm:s0], s1  }
0x2a: {  	s0 =	simm.s32 @!p0 $0x2  }
0x2b: {  	_ =	swait.ge @!p0 [sflag:s0], s1  }
0x2c: {  	s1 =	ssub.s32 @!p0 $0x0, s1;
	[sflag:s0] =	ssyncset.done @!p0 $0x0  }
0x2d: {  	[sflag:s0] =	ssyncadd.s32 @!p0 s1  }
0x2e: {  	[bflag:$0x3] =	sbarrier.arrive $0xFFFF  }
0x2f: {  	_ =	shalt  }

</sc_bundles>
